<compile_context>
chip_gen: v7x
topology: tpu7x:2x2x1
jax: 0.10.2.dev20260603
libtpu: 0.0.44.dev20260713+nightly
codegen_flags: <defaults>
</compile_context>

<pallas_src>
import functools

import jax
import jax.numpy as jnp
from jax import lax
from jax.experimental import pallas as pl
from jax.experimental.pallas import tpu as pltpu
from jax.experimental.pallas import tpu_sc as plsc

HD, ID, NE, TOPK = 768, 3072, 8, 2
TOK = 2048
ASSIGN = TOK * TOPK
AUX = 0.001
TILE = 512
NT = 16
NP = NT * TILE
IC = 768
NIC = ID // IC
NC, NS = 2, 16
NW = NC * NS
SPW = NP // NW
GCH = 64
TPW = TOK // NW


def _router_kernel(x_ref, wr_ref, p0_ref, p1_ref, rw0_ref, rw1_ref,
                   te_ref, ntu_ref, lb_ref, z_ref):
    x = x_ref[...]
    logits = jnp.dot(x, wr_ref[...], preferred_element_type=jnp.float32)
    m = jnp.max(logits, axis=-1, keepdims=True)
    ex = jnp.exp(logits - m)
    se = jnp.sum(ex, axis=-1, keepdims=True)
    probs = ex / se
    eidx = lax.broadcasted_iota(jnp.int32, probs.shape, 1)
    v1 = jnp.max(probs, axis=-1, keepdims=True)
    i1 = jnp.min(jnp.where(probs == v1, eidx, NE), axis=-1, keepdims=True)
    oh1 = eidx == i1
    probs_m = jnp.where(oh1, -1.0, probs)
    v2 = jnp.max(probs_m, axis=-1, keepdims=True)
    i2 = jnp.min(jnp.where(probs_m == v2, eidx, NE), axis=-1, keepdims=True)
    oh2 = eidx == i2
    denom = v1 + v2
    rw0_ref[...] = v1 / denom
    rw1_ref[...] = v2 / denom
    oh1f = oh1.astype(jnp.float32)
    oh2f = oh2.astype(jnp.float32)
    cnt1 = jnp.sum(oh1f, axis=0, keepdims=True)
    cnt2 = jnp.sum(oh2f, axis=0, keepdims=True)
    counts = cnt1 + cnt2
    mean_probs = jnp.mean(probs, axis=0, keepdims=True)
    lb_ref[...] = (AUX * NE * jnp.sum(counts / (TOK * TOPK) * mean_probs)
                   ).reshape(1, 1)
    lse = m + jnp.log(se)
    z_ref[...] = jnp.mean(lse * lse).reshape(1, 1)
    ohb = jnp.concatenate([oh1f, oh2f], axis=1).astype(jnp.bfloat16)
    NB, BS = 16, 128
    oh3 = ohb.reshape(NB, BS, 2 * NE)
    ti = lax.broadcasted_iota(jnp.int32, (BS, 1), 0)
    tj = lax.broadcasted_iota(jnp.int32, (1, BS), 1)
    tri = (tj < ti).astype(jnp.bfloat16)
    bsum = jnp.sum(oh3.astype(jnp.float32), axis=1)
    bi = lax.broadcasted_iota(jnp.int32, (NB, 1), 0)
    bj = lax.broadcasted_iota(jnp.int32, (1, NB), 1)
    btri = (bj < bi).astype(jnp.bfloat16)
    carry = jnp.dot(btri, bsum.astype(jnp.bfloat16),
                    preferred_element_type=jnp.float32)
    pref = jnp.concatenate(
        [jnp.dot(tri, oh3[b], preferred_element_type=jnp.float32)
         + carry[b:b + 1, :] for b in range(NB)], axis=0)
    p1x = pref[:, :NE]
    p2x = pref[:, NE:]
    pc = jnp.ceil(counts / TILE) * TILE
    ei = lax.broadcasted_iota(jnp.int32, (NE, NE), 0)
    ej = lax.broadcasted_iota(jnp.int32, (NE, NE), 1)
    ustrict = (ei < ej).astype(jnp.bfloat16)
    start = jnp.dot(pc.astype(jnp.bfloat16), ustrict,
                    preferred_element_type=jnp.float32)
    ntu_ref[...] = (jnp.sum(pc) / TILE).astype(jnp.int32).reshape(1, 1)
    rank0 = jnp.sum(jnp.where(oh1, p1x, 0.0), axis=1, keepdims=True)
    st0 = jnp.sum(start * oh1f, axis=1, keepdims=True)
    p0_ref[...] = (rank0 + st0).astype(jnp.int32)
    rank1 = jnp.sum(jnp.where(oh2, p2x, 0.0), axis=1, keepdims=True)
    base1 = jnp.sum(cnt1 * oh2f, axis=1, keepdims=True)
    st1 = jnp.sum(start * oh2f, axis=1, keepdims=True)
    p1_ref[...] = (rank1 + base1 + st1).astype(jnp.int32)
    jt = lax.broadcasted_iota(jnp.int32, (128, NE), 0) * TILE
    te = jnp.sum((jnp.broadcast_to(start, (128, NE)) <= jt.astype(jnp.float32)
                  ).astype(jnp.int32), axis=1, keepdims=True) - 1
    te_ref[...] = te


def _dispatch_kernel(p0_hbm, p1_hbm, x_hbm, xs_hbm,
                     idx0_v, idx1_v, rows_v, sem_r, sem_0, sem_1):
    cid = lax.axis_index("c")
    sid = lax.axis_index("s")
    wid = sid * NC + cid
    base = wid * TPW
    g = pltpu.async_copy(x_hbm.at[pl.ds(base, TPW)], rows_v, sem_r)
    pltpu.sync_copy(p0_hbm.at[pl.ds(base, TPW)], idx0_v)
    pltpu.sync_copy(p1_hbm.at[pl.ds(base, TPW)], idx1_v)
    g.wait()
    s0 = pltpu.async_copy(rows_v, xs_hbm.at[idx0_v], sem_0)
    s1 = pltpu.async_copy(rows_v, xs_hbm.at[idx1_v], sem_1)
    s0.wait()
    s1.wait()


def _ffn_kernel(te_ref, ntu_ref, xs_ref, w1_ref, w2_ref, ys_ref):
    j = pl.program_id(0)

    @pl.when(j < ntu_ref[0])
    def _():
        x = xs_ref[...]
        h = lax.dot_general(x, w1_ref[0], (((1,), (0,)), ((), ())),
                            precision=lax.Precision.DEFAULT,
                            preferred_element_type=jnp.float32)
        h = jax.nn.gelu(h)
        ys_ref[...] = lax.dot_general(h, w2_ref[0], (((1,), (0,)), ((), ())),
                                      precision=lax.Precision.DEFAULT,
                                      preferred_element_type=jnp.float32)


def _combine_kernel(p0_hbm, p1_hbm, ys_hbm, g0_hbm, g1_hbm,
                    idx0_v, idx1_v, rows0_v, rows1_v, sem0, sem1):
    cid = lax.axis_index("c")
    sid = lax.axis_index("s")
    wid = sid * NC + cid
    base = wid * TPW
    pltpu.sync_copy(p0_hbm.at[pl.ds(base, TPW)], idx0_v)
    pltpu.sync_copy(p1_hbm.at[pl.ds(base, TPW)], idx1_v)
    g0 = pltpu.async_copy(ys_hbm.at[idx0_v], rows0_v, sem0)
    g1 = pltpu.async_copy(ys_hbm.at[idx1_v], rows1_v, sem1)
    g0.wait()
    w0 = pltpu.async_copy(rows0_v, g0_hbm.at[pl.ds(base, TPW)], sem0)
    g1.wait()
    w0.wait()
    pltpu.sync_copy(rows1_v, g1_hbm.at[pl.ds(base, TPW)])


def _add_kernel(a_ref, b_ref, rw0_ref, rw1_ref, o_ref):
    o_ref[...] = rw0_ref[...] * a_ref[...] + rw1_ref[...] * b_ref[...]


def kernel(hidden_states, Wr, w1, w2):
    b, s, h = hidden_states.shape
    x = hidden_states.reshape(-1, h).astype(jnp.float32)

    p0, p1, rw0, rw1, te, ntu, lb, z = pl.pallas_call(
        _router_kernel,
        out_shape=[
            jax.ShapeDtypeStruct((TOK, 1), jnp.int32),
            jax.ShapeDtypeStruct((TOK, 1), jnp.int32),
            jax.ShapeDtypeStruct((TOK, 1), jnp.float32),
            jax.ShapeDtypeStruct((TOK, 1), jnp.float32),
            jax.ShapeDtypeStruct((128, 1), jnp.int32),
            jax.ShapeDtypeStruct((1, 1), jnp.int32),
            jax.ShapeDtypeStruct((1, 1), jnp.float32),
            jax.ShapeDtypeStruct((1, 1), jnp.float32),
        ],
    )(x, Wr)

    p0f = p0.reshape(TOK)
    p1f = p1.reshape(TOK)
    te_arr = te.reshape(128)[:NT]
    ntu_arr = ntu.reshape(1)

    mesh = plsc.VectorSubcoreMesh(core_axis_name="c", subcore_axis_name="s")
    xs = pl.kernel(
        _dispatch_kernel,
        out_type=jax.ShapeDtypeStruct((NP, HD), jnp.float32),
        mesh=mesh,
        compiler_params=pltpu.CompilerParams(needs_layout_passes=False),
        scratch_types=[
            pltpu.VMEM((TPW,), jnp.int32),
            pltpu.VMEM((TPW,), jnp.int32),
            pltpu.VMEM((TPW, HD), jnp.float32),
            pltpu.SemaphoreType.DMA,
            pltpu.SemaphoreType.DMA,
            pltpu.SemaphoreType.DMA,
        ],
    )(p0f, p1f, x)

    grid_spec = pltpu.PrefetchScalarGridSpec(
        num_scalar_prefetch=2,
        grid=(NT,),
        in_specs=[
            pl.BlockSpec((TILE, HD), lambda j, te, ntu: (j, 0)),
            pl.BlockSpec((1, HD, ID), lambda j, te, ntu: (te[j], 0, 0)),
            pl.BlockSpec((1, ID, HD), lambda j, te, ntu: (te[j], 0, 0)),
        ],
        out_specs=pl.BlockSpec((TILE, HD), lambda j, te, ntu: (j, 0)),
    )
    ys = pl.pallas_call(
        _ffn_kernel,
        grid_spec=grid_spec,
        compiler_params=pltpu.CompilerParams(
            vmem_limit_bytes=60 * 1024 * 1024),
        out_shape=jax.ShapeDtypeStruct((NP, HD), jnp.float32),
    )(te_arr, ntu_arr, xs, w1, w2)

    g0, g1 = pl.kernel(
        _combine_kernel,
        out_type=[
            jax.ShapeDtypeStruct((TOK, HD), jnp.float32),
            jax.ShapeDtypeStruct((TOK, HD), jnp.float32),
        ],
        mesh=mesh,
        compiler_params=pltpu.CompilerParams(needs_layout_passes=False),
        scratch_types=[
            pltpu.VMEM((TPW,), jnp.int32),
            pltpu.VMEM((TPW,), jnp.int32),
            pltpu.VMEM((TPW, HD), jnp.float32),
            pltpu.VMEM((TPW, HD), jnp.float32),
            pltpu.SemaphoreType.DMA,
            pltpu.SemaphoreType.DMA,
        ],
    )(p0f, p1f, ys)

    out = pl.pallas_call(
        _add_kernel,
        out_shape=jax.ShapeDtypeStruct((TOK, HD), jnp.float32),
    )(g0, g1, rw0, rw1)

    return out.reshape(b, s, h), lb[0, 0], z[0, 0]

# --- scband reference (transcript-rebuilt; emitter-appended) ---
"""Pipeline reference for scband-mixture-of-experts-73521250173677 (READ-ONLY COPY).

The authoritative reference and input builder live on the scoring server;
editing this copy changes nothing except your own understanding.
"""

import jax, jax.numpy as jnp
import numpy as np

H, I, E, K = 768, 3072, 8, 2
B, S = 1, 2048
AUX_COEF = 0.001

def setup_inputs(seed: int = 0) -> dict:
    key = jax.random.key(seed)
    k0, k1, k2, k3 = jax.random.split(key, 4)
    return {
        "hidden_states": jax.random.normal(k0, (B, S, H), dtype=jnp.float32),
        "Wr": jax.random.normal(k1, (H, E), dtype=jnp.float32) * 0.02,
        "w1": jax.random.normal(k2, (E, H, I), dtype=jnp.float32) * 0.02,
        "w2": jax.random.normal(k3, (E, I, H), dtype=jnp.float32) * 0.02,
    }

def reference(hidden_states, Wr, w1, w2):
    b, s, h = hidden_states.shape
    x = hidden_states.reshape(-1, h).astype(jnp.float32)
    # TokenChoiceRouter (eval mode: no jitter noise)
    logits = x @ Wr
    probs = jax.nn.softmax(logits, axis=-1)
    top_vals, selected_experts = jax.lax.top_k(probs, K)
    router_weights = top_vals / jnp.sum(top_vals, axis=-1, keepdims=True)
    # auxiliary losses
    onehot = jax.nn.one_hot(selected_experts, E, dtype=jnp.float32)  # [T, K, E]
    frac_tokens = jnp.mean(jnp.sum(onehot, axis=1), axis=0) / K
    mean_probs = jnp.mean(probs, axis=0)
    lb_loss = AUX_COEF * E * jnp.sum(frac_tokens * mean_probs)
    z_loss = jnp.mean(jax.nn.logsumexp(logits, axis=-1) ** 2)
    # ExpertParallel: per-k dispatch, weighted combine
    out = jnp.zeros_like(x)
    for k in range(K):
        for e in range(E):
            mask = (selected_experts[:, k] == e).astype(x.dtype)
            he = jax.nn.gelu(x @ w1[e]) @ w2[e]
            out = out + (mask * router_weights[:, k])[:, None] * he
    expert_output = out.reshape(b, s, h)
    return expert_output, lb_loss, z_loss

if __name__ == "__main__":
    import jax
    _d = setup_inputs()
    print(jax.jit(kernel)(*tuple(_d.values())))

</pallas_src>

<mosaic_0001>
#map = affine_map<(d0, d1) -> (0)>
#map1 = affine_map<(d0, d1) -> (0, 0)>
module attributes {stable_mosaic.version = 14 : i64} {
  func.func @_combine_kernel(%arg0: i32, %arg1: i32, %arg2: memref<2048xi32, #tpu.memory_space<hbm>>, %arg3: memref<2048xi32, #tpu.memory_space<hbm>>, %arg4: memref<8192x768xf32, #tpu.memory_space<hbm>>, %arg5: memref<2048x768xf32, #tpu.memory_space<hbm>>, %arg6: memref<2048x768xf32, #tpu.memory_space<hbm>>, %arg7: memref<64xi32, #tpu.memory_space<vmem>>, %arg8: memref<64xi32, #tpu.memory_space<vmem>>, %arg9: memref<64x768xf32, #tpu.memory_space<vmem>>, %arg10: memref<64x768xf32, #tpu.memory_space<vmem>>, %arg11: memref<!tpu.dma_semaphore, #tpu.memory_space<semaphore_mem>>, %arg12: memref<!tpu.dma_semaphore, #tpu.memory_space<semaphore_mem>>) attributes {dimension_semantics = [#tpu.dimension_semantics<core_parallel>, #tpu.dimension_semantics<subcore_parallel>], iteration_bounds = array<i64: 2, 16>, scalar_prefetch = 0 : i64, scratch_operands = 6 : i64, tpu.core_type = #tpu.core_type<sc_vector_subcore>, window_params = [{transform_indices = #map}, {transform_indices = #map}, {transform_indices = #map1}, {transform_indices = #map1}, {transform_indices = #map1}]} {
    %mul3A = arith.constant 2 : i32
    %mul3A_0 = arith.muli %arg1, %mul3A : i32
    %add3A = arith.addi %mul3A_0, %arg0 : i32
    %mul3A_1 = arith.constant 64 : i32
    %mul3A_2 = arith.muli %add3A, %mul3A_1 : i32
    "tpu.region"() ({
      %run_scoped3A = tpu.sem_alloc : memref<!tpu.dma_semaphore, #tpu.memory_space<semaphore_mem>>
      %dma_start3A_21 = tpu.memref_slice %arg2[%mul3A_2] : memref<2048xi32, #tpu.memory_space<hbm>> -> memref<64xi32, #tpu.memory_space<hbm>>
      %dma_start3A_22 = tpu.memref_slice %arg2[%mul3A_2] : memref<2048xi32, #tpu.memory_space<hbm>> -> memref<64xi32, #tpu.memory_space<hbm>>
      tpu.enqueue_dma source(%dma_start3A_22 : memref<64xi32, #tpu.memory_space<hbm>>) target(%arg7 : memref<64xi32, #tpu.memory_space<vmem>>) target_semaphore(%run_scoped3A : memref<!tpu.dma_semaphore, #tpu.memory_space<semaphore_mem>>)
      %dma_wait3A_23 = tpu.memref_slice %arg2[%mul3A_2] : memref<2048xi32, #tpu.memory_space<hbm>> -> memref<64xi32, #tpu.memory_space<hbm>>
      %dma_wait3A_24 = tpu.memref_slice %arg2[%mul3A_2] : memref<2048xi32, #tpu.memory_space<hbm>> -> memref<64xi32, #tpu.memory_space<hbm>>
      tpu.wait_dma2 semaphore(%run_scoped3A : memref<!tpu.dma_semaphore, #tpu.memory_space<semaphore_mem>>) src(%dma_wait3A_24 : memref<64xi32, #tpu.memory_space<hbm>>) dst(%arg7 : memref<64xi32, #tpu.memory_space<vmem>>)
      tpu.yield
    }) : () -> ()
    "tpu.region"() ({
      %run_scoped3A = tpu.sem_alloc : memref<!tpu.dma_semaphore, #tpu.memory_space<semaphore_mem>>
      %dma_start3A_21 = tpu.memref_slice %arg3[%mul3A_2] : memref<2048xi32, #tpu.memory_space<hbm>> -> memref<64xi32, #tpu.memory_space<hbm>>
      %dma_start3A_22 = tpu.memref_slice %arg3[%mul3A_2] : memref<2048xi32, #tpu.memory_space<hbm>> -> memref<64xi32, #tpu.memory_space<hbm>>
      tpu.enqueue_dma source(%dma_start3A_22 : memref<64xi32, #tpu.memory_space<hbm>>) target(%arg8 : memref<64xi32, #tpu.memory_space<vmem>>) target_semaphore(%run_scoped3A : memref<!tpu.dma_semaphore, #tpu.memory_space<semaphore_mem>>)
      %dma_wait3A_23 = tpu.memref_slice %arg3[%mul3A_2] : memref<2048xi32, #tpu.memory_space<hbm>> -> memref<64xi32, #tpu.memory_space<hbm>>
      %dma_wait3A_24 = tpu.memref_slice %arg3[%mul3A_2] : memref<2048xi32, #tpu.memory_space<hbm>> -> memref<64xi32, #tpu.memory_space<hbm>>
      tpu.wait_dma2 semaphore(%run_scoped3A : memref<!tpu.dma_semaphore, #tpu.memory_space<semaphore_mem>>) src(%dma_wait3A_24 : memref<64xi32, #tpu.memory_space<hbm>>) dst(%arg8 : memref<64xi32, #tpu.memory_space<vmem>>)
      tpu.yield
    }) : () -> ()
    %dma_start3A = arith.constant 0 : i32
    %dma_start3A_3 = arith.constant 0 : i32
    %dma_start3A_4 = tpu.memref_slice %arg4[%dma_start3A, %dma_start3A_3] : memref<8192x768xf32, #tpu.memory_space<hbm>> -> memref<8192x768xf32, #tpu.memory_space<hbm>>
    tpu.enqueue_indirect_dma source(%dma_start3A_4 : memref<8192x768xf32, #tpu.memory_space<hbm>>) target(%arg9 : memref<64x768xf32, #tpu.memory_space<vmem>>) offsets(%arg7 : memref<64xi32, #tpu.memory_space<vmem>>) semaphore(%arg11 : memref<!tpu.dma_semaphore, #tpu.memory_space<semaphore_mem>>)
    %dma_start3A_5 = arith.constant 0 : i32
    %dma_start3A_6 = arith.constant 0 : i32
    %dma_start3A_7 = tpu.memref_slice %arg4[%dma_start3A_5, %dma_start3A_6] : memref<8192x768xf32, #tpu.memory_space<hbm>> -> memref<8192x768xf32, #tpu.memory_space<hbm>>
    tpu.enqueue_indirect_dma source(%dma_start3A_7 : memref<8192x768xf32, #tpu.memory_space<hbm>>) target(%arg10 : memref<64x768xf32, #tpu.memory_space<vmem>>) offsets(%arg8 : memref<64xi32, #tpu.memory_space<vmem>>) semaphore(%arg12 : memref<!tpu.dma_semaphore, #tpu.memory_space<semaphore_mem>>)
    %dma_wait3A = arith.constant 0 : i32
    %dma_wait3A_8 = arith.constant 0 : i32
    %dma_wait3A_9 = tpu.memref_slice %arg4[%dma_wait3A, %dma_wait3A_8] : memref<8192x768xf32, #tpu.memory_space<hbm>> -> memref<8192x768xf32, #tpu.memory_space<hbm>>
    tpu.wait_indirect_dma semaphore(%arg11 : memref<!tpu.dma_semaphore, #tpu.memory_space<semaphore_mem>>) src(%dma_wait3A_9 : memref<8192x768xf32, #tpu.memory_space<hbm>>) dst(%arg9 : memref<64x768xf32, #tpu.memory_space<vmem>>)
    %dma_start3A_10 = arith.constant 0 : i32
    %dma_start3A_11 = tpu.memref_slice %arg5[%mul3A_2, %dma_start3A_10] : memref<2048x768xf32, #tpu.memory_space<hbm>> -> memref<64x768xf32, #tpu.memory_space<hbm>>
    %dma_start3A_12 = arith.constant 0 : i32
    %dma_start3A_13 = tpu.memref_slice %arg5[%mul3A_2, %dma_start3A_12] : memref<2048x768xf32, #tpu.memory_space<hbm>> -> memref<64x768xf32, #tpu.memory_space<hbm>>
    tpu.enqueue_dma source(%arg9 : memref<64x768xf32, #tpu.memory_space<vmem>>) target(%dma_start3A_13 : memref<64x768xf32, #tpu.memory_space<hbm>>) target_semaphore(%arg11 : memref<!tpu.dma_semaphore, #tpu.memory_space<semaphore_mem>>)
    %dma_wait3A_14 = arith.constant 0 : i32
    %dma_wait3A_15 = arith.constant 0 : i32
    %dma_wait3A_16 = tpu.memref_slice %arg4[%dma_wait3A_14, %dma_wait3A_15] : memref<8192x768xf32, #tpu.memory_space<hbm>> -> memref<8192x768xf32, #tpu.memory_space<hbm>>
    tpu.wait_indirect_dma semaphore(%arg12 : memref<!tpu.dma_semaphore, #tpu.memory_space<semaphore_mem>>) src(%dma_wait3A_16 : memref<8192x768xf32, #tpu.memory_space<hbm>>) dst(%arg10 : memref<64x768xf32, #tpu.memory_space<vmem>>)
    %dma_wait3A_17 = arith.constant 0 : i32
    %dma_wait3A_18 = tpu.memref_slice %arg5[%mul3A_2, %dma_wait3A_17] : memref<2048x768xf32, #tpu.memory_space<hbm>> -> memref<64x768xf32, #tpu.memory_space<hbm>>
    %dma_wait3A_19 = arith.constant 0 : i32
    %dma_wait3A_20 = tpu.memref_slice %arg5[%mul3A_2, %dma_wait3A_19] : memref<2048x768xf32, #tpu.memory_space<hbm>> -> memref<64x768xf32, #tpu.memory_space<hbm>>
    tpu.wait_dma2 semaphore(%arg11 : memref<!tpu.dma_semaphore, #tpu.memory_space<semaphore_mem>>) src(%arg9 : memref<64x768xf32, #tpu.memory_space<vmem>>) dst(%dma_wait3A_20 : memref<64x768xf32, #tpu.memory_space<hbm>>)
    "tpu.region"() ({
      %run_scoped3A = tpu.sem_alloc : memref<!tpu.dma_semaphore, #tpu.memory_space<semaphore_mem>>
      %dma_start3A_21 = arith.constant 0 : i32
      %dma_start3A_22 = tpu.memref_slice %arg6[%mul3A_2, %dma_start3A_21] : memref<2048x768xf32, #tpu.memory_space<hbm>> -> memref<64x768xf32, #tpu.memory_space<hbm>>
      %dma_start3A_23 = arith.constant 0 : i32
      %dma_start3A_24 = tpu.memref_slice %arg6[%mul3A_2, %dma_start3A_23] : memref<2048x768xf32, #tpu.memory_space<hbm>> -> memref<64x768xf32, #tpu.memory_space<hbm>>
      tpu.enqueue_dma source(%arg10 : memref<64x768xf32, #tpu.memory_space<vmem>>) target(%dma_start3A_24 : memref<64x768xf32, #tpu.memory_space<hbm>>) target_semaphore(%run_scoped3A : memref<!tpu.dma_semaphore, #tpu.memory_space<semaphore_mem>>)
      %dma_wait3A_25 = arith.constant 0 : i32
      %dma_wait3A_26 = tpu.memref_slice %arg6[%mul3A_2, %dma_wait3A_25] : memref<2048x768xf32, #tpu.memory_space<hbm>> -> memref<64x768xf32, #tpu.memory_space<hbm>>
      %dma_wait3A_27 = arith.constant 0 : i32
      %dma_wait3A_28 = tpu.memref_slice %arg6[%mul3A_2, %dma_wait3A_27] : memref<2048x768xf32, #tpu.memory_space<hbm>> -> memref<64x768xf32, #tpu.memory_space<hbm>>
      tpu.wait_dma2 semaphore(%run_scoped3A : memref<!tpu.dma_semaphore, #tpu.memory_space<semaphore_mem>>) src(%arg10 : memref<64x768xf32, #tpu.memory_space<vmem>>) dst(%dma_wait3A_28 : memref<64x768xf32, #tpu.memory_space<hbm>>)
      tpu.yield
    }) : () -> ()
    return
  }
}

#map = affine_map<(d0, d1) -> (0)>
#map1 = affine_map<(d0, d1) -> (0, 0)>
module attributes {stable_mosaic.version = 14 : i64} {
  func.func @_dispatch_kernel(%arg0: i32, %arg1: i32, %arg2: memref<2048xi32, #tpu.memory_space<hbm>>, %arg3: memref<2048xi32, #tpu.memory_space<hbm>>, %arg4: memref<2048x768xf32, #tpu.memory_space<hbm>>, %arg5: memref<8192x768xf32, #tpu.memory_space<hbm>>, %arg6: memref<64xi32, #tpu.memory_space<vmem>>, %arg7: memref<64xi32, #tpu.memory_space<vmem>>, %arg8: memref<64x768xf32, #tpu.memory_space<vmem>>, %arg9: memref<!tpu.dma_semaphore, #tpu.memory_space<semaphore_mem>>, %arg10: memref<!tpu.dma_semaphore, #tpu.memory_space<semaphore_mem>>, %arg11: memref<!tpu.dma_semaphore, #tpu.memory_space<semaphore_mem>>) attributes {dimension_semantics = [#tpu.dimension_semantics<core_parallel>, #tpu.dimension_semantics<subcore_parallel>], iteration_bounds = array<i64: 2, 16>, scalar_prefetch = 0 : i64, scratch_operands = 6 : i64, tpu.core_type = #tpu.core_type<sc_vector_subcore>, window_params = [{transform_indices = #map}, {transform_indices = #map}, {transform_indices = #map1}, {transform_indices = #map1}]} {
    %mul3A = arith.constant 2 : i32
    %mul3A_0 = arith.muli %arg1, %mul3A : i32
    %add3A = arith.addi %mul3A_0, %arg0 : i32
    %mul3A_1 = arith.constant 64 : i32
    %mul3A_2 = arith.muli %add3A, %mul3A_1 : i32
    %dma_start3A = arith.constant 0 : i32
    %dma_start3A_3 = tpu.memref_slice %arg4[%mul3A_2, %dma_start3A] : memref<2048x768xf32, #tpu.memory_space<hbm>> -> memref<64x768xf32, #tpu.memory_space<hbm>>
    %dma_start3A_4 = arith.constant 0 : i32
    %dma_start3A_5 = tpu.memref_slice %arg4[%mul3A_2, %dma_start3A_4] : memref<2048x768xf32, #tpu.memory_space<hbm>> -> memref<64x768xf32, #tpu.memory_space<hbm>>
    tpu.enqueue_dma source(%dma_start3A_5 : memref<64x768xf32, #tpu.memory_space<hbm>>) target(%arg8 : memref<64x768xf32, #tpu.memory_space<vmem>>) target_semaphore(%arg9 : memref<!tpu.dma_semaphore, #tpu.memory_space<semaphore_mem>>)
    "tpu.region"() ({
      %run_scoped3A = tpu.sem_alloc : memref<!tpu.dma_semaphore, #tpu.memory_space<semaphore_mem>>
      %dma_start3A_21 = tpu.memref_slice %arg2[%mul3A_2] : memref<2048xi32, #tpu.memory_space<hbm>> -> memref<64xi32, #tpu.memory_space<hbm>>
      %dma_start3A_22 = tpu.memref_slice %arg2[%mul3A_2] : memref<2048xi32, #tpu.memory_space<hbm>> -> memref<64xi32, #tpu.memory_space<hbm>>
      tpu.enqueue_dma source(%dma_start3A_22 : memref<64xi32, #tpu.memory_space<hbm>>) target(%arg6 : memref<64xi32, #tpu.memory_space<vmem>>) target_semaphore(%run_scoped3A : memref<!tpu.dma_semaphore, #tpu.memory_space<semaphore_mem>>)
      %dma_wait3A_23 = tpu.memref_slice %arg2[%mul3A_2] : memref<2048xi32, #tpu.memory_space<hbm>> -> memref<64xi32, #tpu.memory_space<hbm>>
      %dma_wait3A_24 = tpu.memref_slice %arg2[%mul3A_2] : memref<2048xi32, #tpu.memory_space<hbm>> -> memref<64xi32, #tpu.memory_space<hbm>>
      tpu.wait_dma2 semaphore(%run_scoped3A : memref<!tpu.dma_semaphore, #tpu.memory_space<semaphore_mem>>) src(%dma_wait3A_24 : memref<64xi32, #tpu.memory_space<hbm>>) dst(%arg6 : memref<64xi32, #tpu.memory_space<vmem>>)
      tpu.yield
    }) : () -> ()
    "tpu.region"() ({
      %run_scoped3A = tpu.sem_alloc : memref<!tpu.dma_semaphore, #tpu.memory_space<semaphore_mem>>
      %dma_start3A_21 = tpu.memref_slice %arg3[%mul3A_2] : memref<2048xi32, #tpu.memory_space<hbm>> -> memref<64xi32, #tpu.memory_space<hbm>>
      %dma_start3A_22 = tpu.memref_slice %arg3[%mul3A_2] : memref<2048xi32, #tpu.memory_space<hbm>> -> memref<64xi32, #tpu.memory_space<hbm>>
      tpu.enqueue_dma source(%dma_start3A_22 : memref<64xi32, #tpu.memory_space<hbm>>) target(%arg7 : memref<64xi32, #tpu.memory_space<vmem>>) target_semaphore(%run_scoped3A : memref<!tpu.dma_semaphore, #tpu.memory_space<semaphore_mem>>)
      %dma_wait3A_23 = tpu.memref_slice %arg3[%mul3A_2] : memref<2048xi32, #tpu.memory_space<hbm>> -> memref<64xi32, #tpu.memory_space<hbm>>
      %dma_wait3A_24 = tpu.memref_slice %arg3[%mul3A_2] : memref<2048xi32, #tpu.memory_space<hbm>> -> memref<64xi32, #tpu.memory_space<hbm>>
      tpu.wait_dma2 semaphore(%run_scoped3A : memref<!tpu.dma_semaphore, #tpu.memory_space<semaphore_mem>>) src(%dma_wait3A_24 : memref<64xi32, #tpu.memory_space<hbm>>) dst(%arg7 : memref<64xi32, #tpu.memory_space<vmem>>)
      tpu.yield
    }) : () -> ()
    %dma_wait3A = arith.constant 0 : i32
    %dma_wait3A_6 = tpu.memref_slice %arg4[%mul3A_2, %dma_wait3A] : memref<2048x768xf32, #tpu.memory_space<hbm>> -> memref<64x768xf32, #tpu.memory_space<hbm>>
    %dma_wait3A_7 = arith.constant 0 : i32
    %dma_wait3A_8 = tpu.memref_slice %arg4[%mul3A_2, %dma_wait3A_7] : memref<2048x768xf32, #tpu.memory_space<hbm>> -> memref<64x768xf32, #tpu.memory_space<hbm>>
    tpu.wait_dma2 semaphore(%arg9 : memref<!tpu.dma_semaphore, #tpu.memory_space<semaphore_mem>>) src(%dma_wait3A_8 : memref<64x768xf32, #tpu.memory_space<hbm>>) dst(%arg8 : memref<64x768xf32, #tpu.memory_space<vmem>>)
    %dma_start3A_9 = arith.constant 0 : i32
    %dma_start3A_10 = arith.constant 0 : i32
    %dma_start3A_11 = tpu.memref_slice %arg5[%dma_start3A_9, %dma_start3A_10] : memref<8192x768xf32, #tpu.memory_space<hbm>> -> memref<8192x768xf32, #tpu.memory_space<hbm>>
    tpu.enqueue_indirect_dma source(%arg8 : memref<64x768xf32, #tpu.memory_space<vmem>>) target(%dma_start3A_11 : memref<8192x768xf32, #tpu.memory_space<hbm>>) offsets(%arg6 : memref<64xi32, #tpu.memory_space<vmem>>) semaphore(%arg10 : memref<!tpu.dma_semaphore, #tpu.memory_space<semaphore_mem>>)
    %dma_start3A_12 = arith.constant 0 : i32
    %dma_start3A_13 = arith.constant 0 : i32
    %dma_start3A_14 = tpu.memref_slice %arg5[%dma_start3A_12, %dma_start3A_13] : memref<8192x768xf32, #tpu.memory_space<hbm>> -> memref<8192x768xf32, #tpu.memory_space<hbm>>
    tpu.enqueue_indirect_dma source(%arg8 : memref<64x768xf32, #tpu.memory_space<vmem>>) target(%dma_start3A_14 : memref<8192x768xf32, #tpu.memory_space<hbm>>) offsets(%arg7 : memref<64xi32, #tpu.memory_space<vmem>>) semaphore(%arg11 : memref<!tpu.dma_semaphore, #tpu.memory_space<semaphore_mem>>)
    %dma_wait3A_15 = arith.constant 0 : i32
    %dma_wait3A_16 = arith.constant 0 : i32
    %dma_wait3A_17 = tpu.memref_slice %arg5[%dma_wait3A_15, %dma_wait3A_16] : memref<8192x768xf32, #tpu.memory_space<hbm>> -> memref<8192x768xf32, #tpu.memory_space<hbm>>
    tpu.wait_indirect_dma semaphore(%arg10 : memref<!tpu.dma_semaphore, #tpu.memory_space<semaphore_mem>>) src(%arg8 : memref<64x768xf32, #tpu.memory_space<vmem>>) dst(%dma_wait3A_17 : memref<8192x768xf32, #tpu.memory_space<hbm>>)
    %dma_wait3A_18 = arith.constant 0 : i32
    %dma_wait3A_19 = arith.constant 0 : i32
    %dma_wait3A_20 = tpu.memref_slice %arg5[%dma_wait3A_18, %dma_wait3A_19] : memref<8192x768xf32, #tpu.memory_space<hbm>> -> memref<8192x768xf32, #tpu.memory_space<hbm>>
    tpu.wait_indirect_dma semaphore(%arg11 : memref<!tpu.dma_semaphore, #tpu.memory_space<semaphore_mem>>) src(%arg8 : memref<64x768xf32, #tpu.memory_space<vmem>>) dst(%dma_wait3A_20 : memref<8192x768xf32, #tpu.memory_space<hbm>>)
    return
  }
}

module attributes {stable_mosaic.version = 14 : i64} {
  func.func @_router_kernel(%arg0: memref<2048x768xf32, #tpu.memory_space<vmem>>, %arg1: memref<768x8xf32, #tpu.memory_space<vmem>>, %arg2: memref<2048x1xi32, #tpu.memory_space<vmem>>, %arg3: memref<2048x1xi32, #tpu.memory_space<vmem>>, %arg4: memref<2048x1xf32, #tpu.memory_space<vmem>>, %arg5: memref<2048x1xf32, #tpu.memory_space<vmem>>, %arg6: memref<128x1xi32, #tpu.memory_space<vmem>>, %arg7: memref<1x1xi32, #tpu.memory_space<vmem>>, %arg8: memref<1x1xf32, #tpu.memory_space<vmem>>, %arg9: memref<1x1xf32, #tpu.memory_space<vmem>>) attributes {dimension_semantics = [], scalar_prefetch = 0 : i64, scratch_operands = 0 : i64, tpu.core_type = #tpu.core_type<tc>} {
    %get3A = arith.constant 0 : index
    %get3A_0 = arith.constant 0 : index
    %get3A_1 = vector.load %arg0[%get3A, %get3A_0] : memref<2048x768xf32, #tpu.memory_space<vmem>>, vector<2048x768xf32>
    %get3A_2 = arith.constant 0 : index
    %get3A_3 = arith.constant 0 : index
    %get3A_4 = vector.load %arg1[%get3A_2, %get3A_3] : memref<768x8xf32, #tpu.memory_space<vmem>>, vector<768x8xf32>
    %dot_general3A = arith.constant dense<0.000000e+00> : vector<2048x8xf32>
    %dot_general3A_5 = tpu.matmul %get3A_1, %get3A_4, %dot_general3A {dimension_numbers = #tpu.dot_dimension_numbers<[1], [0], [0], [1], [0, 0, 1, 1], [], []>, transpose_lhs_hint = false} : vector<2048x768xf32>, vector<768x8xf32>, vector<2048x8xf32> -> vector<2048x8xf32>
    %reduce_max3A = arith.constant dense<0xFF800000> : vector<2048xf32>
    %reduce_max3A_6 = vector.multi_reduction <maximumf>, %dot_general3A_5, %reduce_max3A [1] : vector<2048x8xf32> to vector<2048xf32>
    %broadcast_in_dim3A = vector.shape_cast %reduce_max3A_6 : vector<2048xf32> to vector<2048x1xf32>
    %sub3A = vector.broadcast %broadcast_in_dim3A : vector<2048x1xf32> to vector<2048x8xf32>
    %sub3A_7 = arith.subf %dot_general3A_5, %sub3A : vector<2048x8xf32>
    %exp3A = math.exp %sub3A_7 : vector<2048x8xf32>
    %reduce_sum3A = arith.constant dense<0.000000e+00> : vector<2048xf32>
    %reduce_sum3A_8 = vector.multi_reduction <add>, %exp3A, %reduce_sum3A [1] : vector<2048x8xf32> to vector<2048xf32>
    %broadcast_in_dim3A_9 = vector.shape_cast %reduce_sum3A_8 : vector<2048xf32> to vector<2048x1xf32>
    %div3A = vector.broadcast %broadcast_in_dim3A_9 : vector<2048x1xf32> to vector<2048x8xf32>
    %div3A_10 = arith.divf %exp3A, %div3A : vector<2048x8xf32>
    %iota3A = tpu.iota {dimensions = array<i32: 1>} : vector<2048x8xi32>
    %reduce_max3A_11 = arith.constant dense<0xFF800000> : vector<2048xf32>
    %reduce_max3A_12 = vector.multi_reduction <maximumf>, %div3A_10, %reduce_max3A_11 [1] : vector<2048x8xf32> to vector<2048xf32>
    %broadcast_in_dim3A_13 = vector.shape_cast %reduce_max3A_12 : vector<2048xf32> to vector<2048x1xf32>
    %eq3A = vector.broadcast %broadcast_in_dim3A_13 : vector<2048x1xf32> to vector<2048x8xf32>
    %eq3A_14 = arith.cmpf oeq, %div3A_10, %eq3A : vector<2048x8xf32>
    %jit3A = arith.constant 8 : i32
    %broadcast_in_dim3A_15 = vector.broadcast %jit3A : i32 to vector<2048x8xi32>
    %select_n3A = arith.select %eq3A_14, %iota3A, %broadcast_in_dim3A_15 : vector<2048x8xi1>, vector<2048x8xi32>
    %reduce_min3A = arith.constant dense<2147483647> : vector<2048xi32>
    %reduce_min3A_16 = vector.multi_reduction <minsi>, %select_n3A, %reduce_min3A [1] : vector<2048x8xi32> to vector<2048xi32>
    %broadcast_in_dim3A_17 = vector.shape_cast %reduce_min3A_16 : vector<2048xi32> to vector<2048x1xi32>
    %eq3A_18 = vector.broadcast %broadcast_in_dim3A_17 : vector<2048x1xi32> to vector<2048x8xi32>
    %eq3A_19 = arith.cmpi eq, %iota3A, %eq3A_18 : vector<2048x8xi32>
    %jit3A_20 = arith.constant -1.000000e+00 : f32
    %broadcast_in_dim3A_21 = vector.broadcast %jit3A_20 : f32 to vector<2048x8xf32>
    %select_n3A_22 = arith.select %eq3A_19, %broadcast_in_dim3A_21, %div3A_10 : vector<2048x8xi1>, vector<2048x8xf32>
    %reduce_max3A_23 = arith.constant dense<0xFF800000> : vector<2048xf32>
    %reduce_max3A_24 = vector.multi_reduction <maximumf>, %select_n3A_22, %reduce_max3A_23 [1] : vector<2048x8xf32> to vector<2048xf32>
    %broadcast_in_dim3A_25 = vector.shape_cast %reduce_max3A_24 : vector<2048xf32> to vector<2048x1xf32>
    %eq3A_26 = vector.broadcast %broadcast_in_dim3A_25 : vector<2048x1xf32> to vector<2048x8xf32>
    %eq3A_27 = arith.cmpf oeq, %select_n3A_22, %eq3A_26 : vector<2048x8xf32>
    %jit3A_28 = arith.constant 8 : i32
    %broadcast_in_dim3A_29 = vector.broadcast %jit3A_28 : i32 to vector<2048x8xi32>
    %select_n3A_30 = arith.select %eq3A_27, %iota3A, %broadcast_in_dim3A_29 : vector<2048x8xi1>, vector<2048x8xi32>
    %reduce_min3A_31 = arith.constant dense<2147483647> : vector<2048xi32>
    %reduce_min3A_32 = vector.multi_reduction <minsi>, %select_n3A_30, %reduce_min3A_31 [1] : vector<2048x8xi32> to vector<2048xi32>
    %broadcast_in_dim3A_33 = vector.shape_cast %reduce_min3A_32 : vector<2048xi32> to vector<2048x1xi32>
    %eq3A_34 = vector.broadcast %broadcast_in_dim3A_33 : vector<2048x1xi32> to vector<2048x8xi32>
    %eq3A_35 = arith.cmpi eq, %iota3A, %eq3A_34 : vector<2048x8xi32>
    %add3A = arith.addf %broadcast_in_dim3A_13, %broadcast_in_dim3A_25 : vector<2048x1xf32>
    %div3A_36 = arith.divf %broadcast_in_dim3A_13, %add3A : vector<2048x1xf32>
    %swap3A = arith.constant 0 : index
    %swap3A_37 = arith.constant 0 : index
    %swap3A_38 = vector.load %arg4[%swap3A, %swap3A_37] : memref<2048x1xf32, #tpu.memory_space<vmem>>, vector<2048x1xf32>
    tpu.vector_store %arg4[%swap3A, %swap3A_37], %div3A_36 {strides = array<i32>} : memref<2048x1xf32, #tpu.memory_space<vmem>>, vector<2048x1xf32>,
    %div3A_39 = arith.divf %broadcast_in_dim3A_25, %add3A : vector<2048x1xf32>
    %swap3A_40 = arith.constant 0 : index
    %swap3A_41 = arith.constant 0 : index
    %swap3A_42 = vector.load %arg5[%swap3A_40, %swap3A_41] : memref<2048x1xf32, #tpu.memory_space<vmem>>, vector<2048x1xf32>
    tpu.vector_store %arg5[%swap3A_40, %swap3A_41], %div3A_39 {strides = array<i32>} : memref<2048x1xf32, #tpu.memory_space<vmem>>, vector<2048x1xf32>,
    %convert_element_type3A = arith.extui %eq3A_19 : vector<2048x8xi1> to vector<2048x8xi32>
    %convert_element_type3A_43 = arith.sitofp %convert_element_type3A : vector<2048x8xi32> to vector<2048x8xf32>
    %convert_element_type3A_44 = arith.extui %eq3A_35 : vector<2048x8xi1> to vector<2048x8xi32>
    %convert_element_type3A_45 = arith.sitofp %convert_element_type3A_44 : vector<2048x8xi32> to vector<2048x8xf32>
    %reduce_sum3A_46 = arith.constant dense<0.000000e+00> : vector<8xf32>
    %reduce_sum3A_47 = vector.multi_reduction <add>, %convert_element_type3A_43, %reduce_sum3A_46 [0] : vector<2048x8xf32> to vector<8xf32>
    %broadcast_in_dim3A_48 = vector.shape_cast %reduce_sum3A_47 : vector<8xf32> to vector<1x8xf32>
    %reduce_sum3A_49 = arith.constant dense<0.000000e+00> : vector<8xf32>
    %reduce_sum3A_50 = vector.multi_reduction <add>, %convert_element_type3A_45, %reduce_sum3A_49 [0] : vector<2048x8xf32> to vector<8xf32>
    %broadcast_in_dim3A_51 = vector.shape_cast %reduce_sum3A_50 : vector<8xf32> to vector<1x8xf32>
    %add3A_52 = arith.addf %broadcast_in_dim3A_48, %broadcast_in_dim3A_51 : vector<1x8xf32>
    %reduce_sum3A_53 = arith.constant dense<0.000000e+00> : vector<8xf32>
    %reduce_sum3A_54 = vector.multi_reduction <add>, %div3A_10, %reduce_sum3A_53 [0] : vector<2048x8xf32> to vector<8xf32>
    %broadcast_in_dim3A_55 = vector.shape_cast %reduce_sum3A_54 : vector<8xf32> to vector<1x8xf32>
    %div3A_56 = arith.constant 2.048000e+03 : f32
    %div3A_57 = vector.broadcast %div3A_56 : f32 to vector<1x8xf32>
    %div3A_58 = arith.divf %broadcast_in_dim3A_55, %div3A_57 : vector<1x8xf32>
    %div3A_59 = arith.constant 4.096000e+03 : f32
    %div3A_60 = vector.broadcast %div3A_59 : f32 to vector<1x8xf32>
    %div3A_61 = arith.divf %add3A_52, %div3A_60 : vector<1x8xf32>
    %mul3A = arith.mulf %div3A_61, %div3A_58 : vector<1x8xf32>
    %reduce_sum3A_62 = vector.shape_cast %mul3A : vector<1x8xf32> to vector<1x1x8xf32>
    %reduce_sum3A_63 = arith.constant dense<0.000000e+00> : vector<1xf32>
    %reduce_sum3A_64 = vector.multi_reduction <add>, %reduce_sum3A_62, %reduce_sum3A_63 [1, 2] : vector<1x1x8xf32> to vector<1xf32>
    %reduce_sum3A_65 = vector.shape_cast %reduce_sum3A_64 : vector<1xf32> to vector<1x1x1xf32>
    %reduce_sum3A_66 = vector.extract %reduce_sum3A_65[0, 0, 0] : f32 from vector<1x1x1xf32>
    %mul3A_67 = arith.constant 8.000000e-03 : f32
    %mul3A_68 = arith.mulf %mul3A_67, %reduce_sum3A_66 : f32
    %reshape3A = vector.broadcast %mul3A_68 : f32 to vector<1x1xf32>
    %swap3A_69 = arith.constant 0 : index
    %swap3A_70 = arith.constant 0 : index
    %swap3A_71 = vector.load %arg8[%swap3A_69, %swap3A_70] : memref<1x1xf32, #tpu.memory_space<vmem>>, vector<1x1xf32>
    tpu.vector_store %arg8[%swap3A_69, %swap3A_70], %reshape3A {strides = array<i32>} : memref<1x1xf32, #tpu.memory_space<vmem>>, vector<1x1xf32>,
    %log3A = math.log %broadcast_in_dim3A_9 : vector<2048x1xf32>
    %add3A_72 = arith.addf %broadcast_in_dim3A, %log3A : vector<2048x1xf32>
    %mul3A_73 = arith.mulf %add3A_72, %add3A_72 : vector<2048x1xf32>
    %reduce_sum3A_74 = vector.shape_cast %mul3A_73 : vector<2048x1xf32> to vector<1x2048x1xf32>
    %reduce_sum3A_75 = arith.constant dense<0.000000e+00> : vector<1xf32>
    %reduce_sum3A_76 = vector.multi_reduction <add>, %reduce_sum3A_74, %reduce_sum3A_75 [1, 2] : vector<1x2048x1xf32> to vector<1xf32>
    %reduce_sum3A_77 = vector.shape_cast %reduce_sum3A_76 : vector<1xf32> to vector<1x1x1xf32>
    %reduce_sum3A_78 = vector.extract %reduce_sum3A_77[0, 0, 0] : f32 from vector<1x1x1xf32>
    %div3A_79 = arith.constant 2.048000e+03 : f32
    %div3A_80 = arith.divf %reduce_sum3A_78, %div3A_79 : f32
    %reshape3A_81 = vector.broadcast %div3A_80 : f32 to vector<1x1xf32>
    %swap3A_82 = arith.constant 0 : index
    %swap3A_83 = arith.constant 0 : index
    %swap3A_84 = vector.load %arg9[%swap3A_82, %swap3A_83] : memref<1x1xf32, #tpu.memory_space<vmem>>, vector<1x1xf32>
    tpu.vector_store %arg9[%swap3A_82, %swap3A_83], %reshape3A_81 {strides = array<i32>} : memref<1x1xf32, #tpu.memory_space<vmem>>, vector<1x1xf32>,
    %concatenate3A = tpu.concatenate %convert_element_type3A_43, %convert_element_type3A_45 in 1 : vector<2048x8xf32>, vector<2048x8xf32> -> vector<2048x16xf32>
    %convert_element_type3A_85 = arith.truncf %concatenate3A : vector<2048x16xf32> to vector<2048x16xbf16>
    %reshape3A_86 = vector.shape_cast %convert_element_type3A_85 : vector<2048x16xbf16> to vector<16x128x16xbf16>
    %iota3A_87 = tpu.iota {dimensions = array<i32: 0>} : vector<128x1xi32>
    %iota3A_88 = tpu.iota {dimensions = array<i32: 1>} : vector<1x128xi32>
    %lt3A = vector.broadcast %iota3A_88 : vector<1x128xi32> to vector<128x128xi32>
    %lt3A_89 = vector.broadcast %iota3A_87 : vector<128x1xi32> to vector<128x128xi32>
    %lt3A_90 = arith.cmpi slt, %lt3A, %lt3A_89 : vector<128x128xi32>
    %convert_element_type3A_91 = arith.extui %lt3A_90 : vector<128x128xi1> to vector<128x128xi32>
    %convert_element_type3A_92 = arith.sitofp %convert_element_type3A_91 : vector<128x128xi32> to vector<128x128xf32>
    %convert_element_type3A_93 = arith.truncf %convert_element_type3A_92 : vector<128x128xf32> to vector<128x128xbf16>
    %convert_element_type3A_94 = arith.extf %reshape3A_86 : vector<16x128x16xbf16> to vector<16x128x16xf32>
    %reduce_sum3A_95 = arith.constant dense<0.000000e+00> : vector<16x16xf32>
    %reduce_sum3A_96 = vector.multi_reduction <add>, %convert_element_type3A_94, %reduce_sum3A_95 [1] : vector<16x128x16xf32> to vector<16x16xf32>
    %iota3A_97 = tpu.iota {dimensions = array<i32: 0>} : vector<16x1xi32>
    %iota3A_98 = tpu.iota {dimensions = array<i32: 1>} : vector<1x16xi32>
    %lt3A_99 = vector.broadcast %iota3A_98 : vector<1x16xi32> to vector<16x16xi32>
    %lt3A_100 = vector.broadcast %iota3A_97 : vector<16x1xi32> to vector<16x16xi32>
    %lt3A_101 = arith.cmpi slt, %lt3A_99, %lt3A_100 : vector<16x16xi32>
    %convert_element_type3A_102 = arith.extui %lt3A_101 : vector<16x16xi1> to vector<16x16xi32>
    %convert_element_type3A_103 = arith.sitofp %convert_element_type3A_102 : vector<16x16xi32> to vector<16x16xf32>
    %convert_element_type3A_104 = arith.truncf %convert_element_type3A_103 : vector<16x16xf32> to vector<16x16xbf16>
    %convert_element_type3A_105 = arith.truncf %reduce_sum3A_96 : vector<16x16xf32> to vector<16x16xbf16>
    %dot_general3A_106 = arith.constant dense<0.000000e+00> : vector<16x16xf32>
    %dot_general3A_107 = tpu.matmul %convert_element_type3A_104, %convert_element_type3A_105, %dot_general3A_106 {dimension_numbers = #tpu.dot_dimension_numbers<[1], [0], [0], [1], [0, 0, 1, 1], [], []>, transpose_lhs_hint = false} : vector<16x16xbf16>, vector<16x16xbf16>, vector<16x16xf32> -> vector<16x16xf32>
    %slice3A = vector.extract_strided_slice %reshape3A_86 {offsets = [0, 0, 0], sizes = [1, 128, 16], strides = [1, 1, 1]} : vector<16x128x16xbf16> to vector<1x128x16xbf16>
    %squeeze3A = vector.shape_cast %slice3A : vector<1x128x16xbf16> to vector<128x16xbf16>
    %dot_general3A_108 = arith.constant dense<0.000000e+00> : vector<128x16xf32>
    %dot_general3A_109 = tpu.matmul %convert_element_type3A_93, %squeeze3A, %dot_general3A_108 {dimension_numbers = #tpu.dot_dimension_numbers<[1], [0], [0], [1], [0, 0, 1, 1], [], []>, transpose_lhs_hint = false} : vector<128x128xbf16>, vector<128x16xbf16>, vector<128x16xf32> -> vector<128x16xf32>
    %slice3A_110 = vector.extract_strided_slice %dot_general3A_107 {offsets = [0, 0], sizes = [1, 16], strides = [1, 1]} : vector<16x16xf32> to vector<1x16xf32>
    %add3A_111 = vector.broadcast %slice3A_110 : vector<1x16xf32> to vector<128x16xf32>
    %add3A_112 = arith.addf %dot_general3A_109, %add3A_111 : vector<128x16xf32>
    %slice3A_113 = vector.extract_strided_slice %reshape3A_86 {offsets = [1, 0, 0], sizes = [1, 128, 16], strides = [1, 1, 1]} : vector<16x128x16xbf16> to vector<1x128x16xbf16>
    %squeeze3A_114 = vector.shape_cast %slice3A_113 : vector<1x128x16xbf16> to vector<128x16xbf16>
    %dot_general3A_115 = arith.constant dense<0.000000e+00> : vector<128x16xf32>
    %dot_general3A_116 = tpu.matmul %convert_element_type3A_93, %squeeze3A_114, %dot_general3A_115 {dimension_numbers = #tpu.dot_dimension_numbers<[1], [0], [0], [1], [0, 0, 1, 1], [], []>, transpose_lhs_hint = false} : vector<128x128xbf16>, vector<128x16xbf16>, vector<128x16xf32> -> vector<128x16xf32>
    %slice3A_117 = vector.extract_strided_slice %dot_general3A_107 {offsets = [1, 0], sizes = [1, 16], strides = [1, 1]} : vector<16x16xf32> to vector<1x16xf32>
    %add3A_118 = vector.broadcast %slice3A_117 : vector<1x16xf32> to vector<128x16xf32>
    %add3A_119 = arith.addf %dot_general3A_116, %add3A_118 : vector<128x16xf32>
    %slice3A_120 = vector.extract_strided_slice %reshape3A_86 {offsets = [2, 0, 0], sizes = [1, 128, 16], strides = [1, 1, 1]} : vector<16x128x16xbf16> to vector<1x128x16xbf16>
    %squeeze3A_121 = vector.shape_cast %slice3A_120 : vector<1x128x16xbf16> to vector<128x16xbf16>
    %dot_general3A_122 = arith.constant dense<0.000000e+00> : vector<128x16xf32>
    %dot_general3A_123 = tpu.matmul %convert_element_type3A_93, %squeeze3A_121, %dot_general3A_122 {dimension_numbers = #tpu.dot_dimension_numbers<[1], [0], [0], [1], [0, 0, 1, 1], [], []>, transpose_lhs_hint = false} : vector<128x128xbf16>, vector<128x16xbf16>, vector<128x16xf32> -> vector<128x16xf32>
    %slice3A_124 = vector.extract_strided_slice %dot_general3A_107 {offsets = [2, 0], sizes = [1, 16], strides = [1, 1]} : vector<16x16xf32> to vector<1x16xf32>
    %add3A_125 = vector.broadcast %slice3A_124 : vector<1x16xf32> to vector<128x16xf32>
    %add3A_126 = arith.addf %dot_general3A_123, %add3A_125 : vector<128x16xf32>
    %slice3A_127 = vector.extract_strided_slice %reshape3A_86 {offsets = [3, 0, 0], sizes = [1, 128, 16], strides = [1, 1, 1]} : vector<16x128x16xbf16> to vector<1x128x16xbf16>
    %squeeze3A_128 = vector.shape_cast %slice3A_127 : vector<1x128x16xbf16> to vector<128x16xbf16>
    %dot_general3A_129 = arith.constant dense<0.000000e+00> : vector<128x16xf32>
    %dot_general3A_130 = tpu.matmul %convert_element_type3A_93, %squeeze3A_128, %dot_general3A_129 {dimension_numbers = #tpu.dot_dimension_numbers<[1], [0], [0], [1], [0, 0, 1, 1], [], []>, transpose_lhs_hint = false} : vector<128x128xbf16>, vector<128x16xbf16>, vector<128x16xf32> -> vector<128x16xf32>
    %slice3A_131 = vector.extract_strided_slice %dot_general3A_107 {offsets = [3, 0], sizes = [1, 16], strides = [1, 1]} : vector<16x16xf32> to vector<1x16xf32>
    %add3A_132 = vector.broadcast %slice3A_131 : vector<1x16xf32> to vector<128x16xf32>
    %add3A_133 = arith.addf %dot_general3A_130, %add3A_132 : vector<128x16xf32>
    %slice3A_134 = vector.extract_strided_slice %reshape3A_86 {offsets = [4, 0, 0], sizes = [1, 128, 16], strides = [1, 1, 1]} : vector<16x128x16xbf16> to vector<1x128x16xbf16>
    %squeeze3A_135 = vector.shape_cast %slice3A_134 : vector<1x128x16xbf16> to vector<128x16xbf16>
    %dot_general3A_136 = arith.constant dense<0.000000e+00> : vector<128x16xf32>
    %dot_general3A_137 = tpu.matmul %convert_element_type3A_93, %squeeze3A_135, %dot_general3A_136 {dimension_numbers = #tpu.dot_dimension_numbers<[1], [0], [0], [1], [0, 0, 1, 1], [], []>, transpose_lhs_hint = false} : vector<128x128xbf16>, vector<128x16xbf16>, vector<128x16xf32> -> vector<128x16xf32>
    %slice3A_138 = vector.extract_strided_slice %dot_general3A_107 {offsets = [4, 0], sizes = [1, 16], strides = [1, 1]} : vector<16x16xf32> to vector<1x16xf32>
    %add3A_139 = vector.broadcast %slice3A_138 : vector<1x16xf32> to vector<128x16xf32>
    %add3A_140 = arith.addf %dot_general3A_137, %add3A_139 : vector<128x16xf32>
    %slice3A_141 = vector.extract_strided_slice %reshape3A_86 {offsets = [5, 0, 0], sizes = [1, 128, 16], strides = [1, 1, 1]} : vector<16x128x16xbf16> to vector<1x128x16xbf16>
    %squeeze3A_142 = vector.shape_cast %slice3A_141 : vector<1x128x16xbf16> to vector<128x16xbf16>
    %dot_general3A_143 = arith.constant dense<0.000000e+00> : vector<128x16xf32>
    %dot_general3A_144 = tpu.matmul %convert_element_type3A_93, %squeeze3A_142, %dot_general3A_143 {dimension_numbers = #tpu.dot_dimension_numbers<[1], [0], [0], [1], [0, 0, 1, 1], [], []>, transpose_lhs_hint = false} : vector<128x128xbf16>, vector<128x16xbf16>, vector<128x16xf32> -> vector<128x16xf32>
    %slice3A_145 = vector.extract_strided_slice %dot_general3A_107 {offsets = [5, 0], sizes = [1, 16], strides = [1, 1]} : vector<16x16xf32> to vector<1x16xf32>
    %add3A_146 = vector.broadcast %slice3A_145 : vector<1x16xf32> to vector<128x16xf32>
    %add3A_147 = arith.addf %dot_general3A_144, %add3A_146 : vector<128x16xf32>
    %slice3A_148 = vector.extract_strided_slice %reshape3A_86 {offsets = [6, 0, 0], sizes = [1, 128, 16], strides = [1, 1, 1]} : vector<16x128x16xbf16> to vector<1x128x16xbf16>
    %squeeze3A_149 = vector.shape_cast %slice3A_148 : vector<1x128x16xbf16> to vector<128x16xbf16>
    %dot_general3A_150 = arith.constant dense<0.000000e+00> : vector<128x16xf32>
    %dot_general3A_151 = tpu.matmul %convert_element_type3A_93, %squeeze3A_149, %dot_general3A_150 {dimension_numbers = #tpu.dot_dimension_numbers<[1], [0], [0], [1], [0, 0, 1, 1], [], []>, transpose_lhs_hint = false} : vector<128x128xbf16>, vector<128x16xbf16>, vector<128x16xf32> -> vector<128x16xf32>
    %slice3A_152 = vector.extract_strided_slice %dot_general3A_107 {offsets = [6, 0], sizes = [1, 16], strides = [1, 1]} : vector<16x16xf32> to vector<1x16xf32>
    %add3A_153 = vector.broadcast %slice3A_152 : vector<1x16xf32> to vector<128x16xf32>
    %add3A_154 = arith.addf %dot_general3A_151, %add3A_153 : vector<128x16xf32>
    %slice3A_155 = vector.extract_strided_slice %reshape3A_86 {offsets = [7, 0, 0], sizes = [1, 128, 16], strides = [1, 1, 1]} : vector<16x128x16xbf16> to vector<1x128x16xbf16>
    %squeeze3A_156 = vector.shape_cast %slice3A_155 : vector<1x128x16xbf16> to vector<128x16xbf16>
    %dot_general3A_157 = arith.constant dense<0.000000e+00> : vector<128x16xf32>
    %dot_general3A_158 = tpu.matmul %convert_element_type3A_93, %squeeze3A_156, %dot_general3A_157 {dimension_numbers = #tpu.dot_dimension_numbers<[1], [0], [0], [1], [0, 0, 1, 1], [], []>, transpose_lhs_hint = false} : vector<128x128xbf16>, vector<128x16xbf16>, vector<128x16xf32> -> vector<128x16xf32>
    %slice3A_159 = vector.extract_strided_slice %dot_general3A_107 {offsets = [7, 0], sizes = [1, 16], strides = [1, 1]} : vector<16x16xf32> to vector<1x16xf32>
    %add3A_160 = vector.broadcast %slice3A_159 : vector<1x16xf32> to vector<128x16xf32>
    %add3A_161 = arith.addf %dot_general3A_158, %add3A_160 : vector<128x16xf32>
    %slice3A_162 = vector.extract_strided_slice %reshape3A_86 {offsets = [8, 0, 0], sizes = [1, 128, 16], strides = [1, 1, 1]} : vector<16x128x16xbf16> to vector<1x128x16xbf16>
    %squeeze3A_163 = vector.shape_cast %slice3A_162 : vector<1x128x16xbf16> to vector<128x16xbf16>
    %dot_general3A_164 = arith.constant dense<0.000000e+00> : vector<128x16xf32>
    %dot_general3A_165 = tpu.matmul %convert_element_type3A_93, %squeeze3A_163, %dot_general3A_164 {dimension_numbers = #tpu.dot_dimension_numbers<[1], [0], [0], [1], [0, 0, 1, 1], [], []>, transpose_lhs_hint = false} : vector<128x128xbf16>, vector<128x16xbf16>, vector<128x16xf32> -> vector<128x16xf32>
    %slice3A_166 = vector.extract_strided_slice %dot_general3A_107 {offsets = [8, 0], sizes = [1, 16], strides = [1, 1]} : vector<16x16xf32> to vector<1x16xf32>
    %add3A_167 = vector.broadcast %slice3A_166 : vector<1x16xf32> to vector<128x16xf32>
    %add3A_168 = arith.addf %dot_general3A_165, %add3A_167 : vector<128x16xf32>
    %slice3A_169 = vector.extract_strided_slice %reshape3A_86 {offsets = [9, 0, 0], sizes = [1, 128, 16], strides = [1, 1, 1]} : vector<16x128x16xbf16> to vector<1x128x16xbf16>
    %squeeze3A_170 = vector.shape_cast %slice3A_169 : vector<1x128x16xbf16> to vector<128x16xbf16>
    %dot_general3A_171 = arith.constant dense<0.000000e+00> : vector<128x16xf32>
    %dot_general3A_172 = tpu.matmul %convert_element_type3A_93, %squeeze3A_170, %dot_general3A_171 {dimension_numbers = #tpu.dot_dimension_numbers<[1], [0], [0], [1], [0, 0, 1, 1], [], []>, transpose_lhs_hint = false} : vector<128x128xbf16>, vector<128x16xbf16>, vector<128x16xf32> -> vector<128x16xf32>
    %slice3A_173 = vector.extract_strided_slice %dot_general3A_107 {offsets = [9, 0], sizes = [1, 16], strides = [1, 1]} : vector<16x16xf32> to vector<1x16xf32>
    %add3A_174 = vector.broadcast %slice3A_173 : vector<1x16xf32> to vector<128x16xf32>
    %add3A_175 = arith.addf %dot_general3A_172, %add3A_174 : vector<128x16xf32>
    %slice3A_176 = vector.extract_strided_slice %reshape3A_86 {offsets = [10, 0, 0], sizes = [1, 128, 16], strides = [1, 1, 1]} : vector<16x128x16xbf16> to vector<1x128x16xbf16>
    %squeeze3A_177 = vector.shape_cast %slice3A_176 : vector<1x128x16xbf16> to vector<128x16xbf16>
    %dot_general3A_178 = arith.constant dense<0.000000e+00> : vector<128x16xf32>
    %dot_general3A_179 = tpu.matmul %convert_element_type3A_93, %squeeze3A_177, %dot_general3A_178 {dimension_numbers = #tpu.dot_dimension_numbers<[1], [0], [0], [1], [0, 0, 1, 1], [], []>, transpose_lhs_hint = false} : vector<128x128xbf16>, vector<128x16xbf16>, vector<128x16xf32> -> vector<128x16xf32>
    %slice3A_180 = vector.extract_strided_slice %dot_general3A_107 {offsets = [10, 0], sizes = [1, 16], strides = [1, 1]} : vector<16x16xf32> to vector<1x16xf32>
    %add3A_181 = vector.broadcast %slice3A_180 : vector<1x16xf32> to vector<128x16xf32>
    %add3A_182 = arith.addf %dot_general3A_179, %add3A_181 : vector<128x16xf32>
    %slice3A_183 = vector.extract_strided_slice %reshape3A_86 {offsets = [11, 0, 0], sizes = [1, 128, 16], strides = [1, 1, 1]} : vector<16x128x16xbf16> to vector<1x128x16xbf16>
    %squeeze3A_184 = vector.shape_cast %slice3A_183 : vector<1x128x16xbf16> to vector<128x16xbf16>
    %dot_general3A_185 = arith.constant dense<0.000000e+00> : vector<128x16xf32>
    %dot_general3A_186 = tpu.matmul %convert_element_type3A_93, %squeeze3A_184, %dot_general3A_185 {dimension_numbers = #tpu.dot_dimension_numbers<[1], [0], [0], [1], [0, 0, 1, 1], [], []>, transpose_lhs_hint = false} : vector<128x128xbf16>, vector<128x16xbf16>, vector<128x16xf32> -> vector<128x16xf32>
    %slice3A_187 = vector.extract_strided_slice %dot_general3A_107 {offsets = [11, 0], sizes = [1, 16], strides = [1, 1]} : vector<16x16xf32> to vector<1x16xf32>
    %add3A_188 = vector.broadcast %slice3A_187 : vector<1x16xf32> to vector<128x16xf32>
    %add3A_189 = arith.addf %dot_general3A_186, %add3A_188 : vector<128x16xf32>
    %slice3A_190 = vector.extract_strided_slice %reshape3A_86 {offsets = [12, 0, 0], sizes = [1, 128, 16], strides = [1, 1, 1]} : vector<16x128x16xbf16> to vector<1x128x16xbf16>
    %squeeze3A_191 = vector.shape_cast %slice3A_190 : vector<1x128x16xbf16> to vector<128x16xbf16>
    %dot_general3A_192 = arith.constant dense<0.000000e+00> : vector<128x16xf32>
    %dot_general3A_193 = tpu.matmul %convert_element_type3A_93, %squeeze3A_191, %dot_general3A_192 {dimension_numbers = #tpu.dot_dimension_numbers<[1], [0], [0], [1], [0, 0, 1, 1], [], []>, transpose_lhs_hint = false} : vector<128x128xbf16>, vector<128x16xbf16>, vector<128x16xf32> -> vector<128x16xf32>
    %slice3A_194 = vector.extract_strided_slice %dot_general3A_107 {offsets = [12, 0], sizes = [1, 16], strides = [1, 1]} : vector<16x16xf32> to vector<1x16xf32>
    %add3A_195 = vector.broadcast %slice3A_194 : vector<1x16xf32> to vector<128x16xf32>
    %add3A_196 = arith.addf %dot_general3A_193, %add3A_195 : vector<128x16xf32>
    %slice3A_197 = vector.extract_strided_slice %reshape3A_86 {offsets = [13, 0, 0], sizes = [1, 128, 16], strides = [1, 1, 1]} : vector<16x128x16xbf16> to vector<1x128x16xbf16>
    %squeeze3A_198 = vector.shape_cast %slice3A_197 : vector<1x128x16xbf16> to vector<128x16xbf16>
    %dot_general3A_199 = arith.constant dense<0.000000e+00> : vector<128x16xf32>
    %dot_general3A_200 = tpu.matmul %convert_element_type3A_93, %squeeze3A_198, %dot_general3A_199 {dimension_numbers = #tpu.dot_dimension_numbers<[1], [0], [0], [1], [0, 0, 1, 1], [], []>, transpose_lhs_hint = false} : vector<128x128xbf16>, vector<128x16xbf16>, vector<128x16xf32> -> vector<128x16xf32>
    %slice3A_201 = vector.extract_strided_slice %dot_general3A_107 {offsets = [13, 0], sizes = [1, 16], strides = [1, 1]} : vector<16x16xf32> to vector<1x16xf32>
    %add3A_202 = vector.broadcast %slice3A_201 : vector<1x16xf32> to vector<128x16xf32>
    %add3A_203 = arith.addf %dot_general3A_200, %add3A_202 : vector<128x16xf32>
    %slice3A_204 = vector.extract_strided_slice %reshape3A_86 {offsets = [14, 0, 0], sizes = [1, 128, 16], strides = [1, 1, 1]} : vector<16x128x16xbf16> to vector<1x128x16xbf16>
    %squeeze3A_205 = vector.shape_cast %slice3A_204 : vector<1x128x16xbf16> to vector<128x16xbf16>
    %dot_general3A_206 = arith.constant dense<0.000000e+00> : vector<128x16xf32>
    %dot_general3A_207 = tpu.matmul %convert_element_type3A_93, %squeeze3A_205, %dot_general3A_206 {dimension_numbers = #tpu.dot_dimension_numbers<[1], [0], [0], [1], [0, 0, 1, 1], [], []>, transpose_lhs_hint = false} : vector<128x128xbf16>, vector<128x16xbf16>, vector<128x16xf32> -> vector<128x16xf32>
    %slice3A_208 = vector.extract_strided_slice %dot_general3A_107 {offsets = [14, 0], sizes = [1, 16], strides = [1, 1]} : vector<16x16xf32> to vector<1x16xf32>
    %add3A_209 = vector.broadcast %slice3A_208 : vector<1x16xf32> to vector<128x16xf32>
    %add3A_210 = arith.addf %dot_general3A_207, %add3A_209 : vector<128x16xf32>
    %slice3A_211 = vector.extract_strided_slice %reshape3A_86 {offsets = [15, 0, 0], sizes = [1, 128, 16], strides = [1, 1, 1]} : vector<16x128x16xbf16> to vector<1x128x16xbf16>
    %squeeze3A_212 = vector.shape_cast %slice3A_211 : vector<1x128x16xbf16> to vector<128x16xbf16>
    %dot_general3A_213 = arith.constant dense<0.000000e+00> : vector<128x16xf32>
    %dot_general3A_214 = tpu.matmul %convert_element_type3A_93, %squeeze3A_212, %dot_general3A_213 {dimension_numbers = #tpu.dot_dimension_numbers<[1], [0], [0], [1], [0, 0, 1, 1], [], []>, transpose_lhs_hint = false} : vector<128x128xbf16>, vector<128x16xbf16>, vector<128x16xf32> -> vector<128x16xf32>
    %slice3A_215 = vector.extract_strided_slice %dot_general3A_107 {offsets = [15, 0], sizes = [1, 16], strides = [1, 1]} : vector<16x16xf32> to vector<1x16xf32>
    %add3A_216 = vector.broadcast %slice3A_215 : vector<1x16xf32> to vector<128x16xf32>
    %add3A_217 = arith.addf %dot_general3A_214, %add3A_216 : vector<128x16xf32>
    %concatenate3A_218 = tpu.concatenate %add3A_112, %add3A_119, %add3A_126, %add3A_133, %add3A_140, %add3A_147, %add3A_154, %add3A_161, %add3A_168, %add3A_175, %add3A_182, %add3A_189, %add3A_196, %add3A_203, %add3A_210, %add3A_217 in 0 : vector<128x16xf32>, vector<128x16xf32>, vector<128x16xf32>, vector<128x16xf32>, vector<128x16xf32>, vector<128x16xf32>, vector<128x16xf32>, vector<128x16xf32>, vector<128x16xf32>, vector<128x16xf32>, vector<128x16xf32>, vector<128x16xf32>, vector<128x16xf32>, vector<128x16xf32>, vector<128x16xf32>, vector<128x16xf32> -> vector<2048x16xf32>
    %slice3A_219 = vector.extract_strided_slice %concatenate3A_218 {offsets = [0, 0], sizes = [2048, 8], strides = [1, 1]} : vector<2048x16xf32> to vector<2048x8xf32>
    %slice3A_220 = vector.extract_strided_slice %concatenate3A_218 {offsets = [0, 8], sizes = [2048, 8], strides = [1, 1]} : vector<2048x16xf32> to vector<2048x8xf32>
    %div3A_221 = arith.constant 5.120000e+02 : f32
    %div3A_222 = vector.broadcast %div3A_221 : f32 to vector<1x8xf32>
    %div3A_223 = arith.divf %add3A_52, %div3A_222 : vector<1x8xf32>
    %ceil3A = math.ceil %div3A_223 : vector<1x8xf32>
    %mul3A_224 = arith.constant 5.120000e+02 : f32
    %mul3A_225 = vector.broadcast %mul3A_224 : f32 to vector<1x8xf32>
    %mul3A_226 = arith.mulf %ceil3A, %mul3A_225 : vector<1x8xf32>
    %iota3A_227 = tpu.iota {dimensions = array<i32: 0>} : vector<8x8xi32>
    %iota3A_228 = tpu.iota {dimensions = array<i32: 1>} : vector<8x8xi32>
    %lt3A_229 = arith.cmpi slt, %iota3A_227, %iota3A_228 : vector<8x8xi32>
    %convert_element_type3A_230 = arith.extui %lt3A_229 : vector<8x8xi1> to vector<8x8xi32>
    %convert_element_type3A_231 = arith.sitofp %convert_element_type3A_230 : vector<8x8xi32> to vector<8x8xf32>
    %convert_element_type3A_232 = arith.truncf %convert_element_type3A_231 : vector<8x8xf32> to vector<8x8xbf16>
    %convert_element_type3A_233 = arith.truncf %mul3A_226 : vector<1x8xf32> to vector<1x8xbf16>
    %dot_general3A_234 = arith.constant dense<0.000000e+00> : vector<1x8xf32>
    %dot_general3A_235 = tpu.matmul %convert_element_type3A_233, %convert_element_type3A_232, %dot_general3A_234 {dimension_numbers = #tpu.dot_dimension_numbers<[1], [0], [0], [1], [0, 0, 1, 1], [], []>, transpose_lhs_hint = false} : vector<1x8xbf16>, vector<8x8xbf16>, vector<1x8xf32> -> vector<1x8xf32>
    %reduce_sum3A_236 = vector.shape_cast %mul3A_226 : vector<1x8xf32> to vector<1x1x8xf32>
    %reduce_sum3A_237 = arith.constant dense<0.000000e+00> : vector<1xf32>
    %reduce_sum3A_238 = vector.multi_reduction <add>, %reduce_sum3A_236, %reduce_sum3A_237 [1, 2] : vector<1x1x8xf32> to vector<1xf32>
    %reduce_sum3A_239 = vector.shape_cast %reduce_sum3A_238 : vector<1xf32> to vector<1x1x1xf32>
    %reduce_sum3A_240 = vector.extract %reduce_sum3A_239[0, 0, 0] : f32 from vector<1x1x1xf32>
    %div3A_241 = arith.constant 5.120000e+02 : f32
    %div3A_242 = arith.divf %reduce_sum3A_240, %div3A_241 : f32
    %convert_element_type3A_243 = arith.fptosi %div3A_242 : f32 to i32
    %reshape3A_244 = vector.broadcast %convert_element_type3A_243 : i32 to vector<1x1xi32>
    %swap3A_245 = arith.constant 0 : index
    %swap3A_246 = arith.constant 0 : index
    %swap3A_247 = vector.load %arg7[%swap3A_245, %swap3A_246] : memref<1x1xi32, #tpu.memory_space<vmem>>, vector<1x1xi32>
    tpu.vector_store %arg7[%swap3A_245, %swap3A_246], %reshape3A_244 {strides = array<i32>} : memref<1x1xi32, #tpu.memory_space<vmem>>, vector<1x1xi32>,
    %jit3A_248 = arith.constant 0.000000e+00 : f32
    %broadcast_in_dim3A_249 = vector.broadcast %jit3A_248 : f32 to vector<2048x8xf32>
    %select_n3A_250 = arith.select %eq3A_19, %slice3A_219, %broadcast_in_dim3A_249 : vector<2048x8xi1>, vector<2048x8xf32>
    %reduce_sum3A_251 = arith.constant dense<0.000000e+00> : vector<2048xf32>
    %reduce_sum3A_252 = vector.multi_reduction <add>, %select_n3A_250, %reduce_sum3A_251 [1] : vector<2048x8xf32> to vector<2048xf32>
    %broadcast_in_dim3A_253 = vector.shape_cast %reduce_sum3A_252 : vector<2048xf32> to vector<2048x1xf32>
    %mul3A_254 = vector.broadcast %dot_general3A_235 : vector<1x8xf32> to vector<2048x8xf32>
    %mul3A_255 = arith.mulf %mul3A_254, %convert_element_type3A_43 : vector<2048x8xf32>
    %reduce_sum3A_256 = arith.constant dense<0.000000e+00> : vector<2048xf32>
    %reduce_sum3A_257 = vector.multi_reduction <add>, %mul3A_255, %reduce_sum3A_256 [1] : vector<2048x8xf32> to vector<2048xf32>
    %broadcast_in_dim3A_258 = vector.shape_cast %reduce_sum3A_257 : vector<2048xf32> to vector<2048x1xf32>
    %add3A_259 = arith.addf %broadcast_in_dim3A_253, %broadcast_in_dim3A_258 : vector<2048x1xf32>
    %convert_element_type3A_260 = arith.fptosi %add3A_259 : vector<2048x1xf32> to vector<2048x1xi32>
    %swap3A_261 = arith.constant 0 : index
    %swap3A_262 = arith.constant 0 : index
    %swap3A_263 = vector.load %arg2[%swap3A_261, %swap3A_262] : memref<2048x1xi32, #tpu.memory_space<vmem>>, vector<2048x1xi32>
    tpu.vector_store %arg2[%swap3A_261, %swap3A_262], %convert_element_type3A_260 {strides = array<i32>} : memref<2048x1xi32, #tpu.memory_space<vmem>>, vector<2048x1xi32>,
    %jit3A_264 = arith.constant 0.000000e+00 : f32
    %broadcast_in_dim3A_265 = vector.broadcast %jit3A_264 : f32 to vector<2048x8xf32>
    %select_n3A_266 = arith.select %eq3A_35, %slice3A_220, %broadcast_in_dim3A_265 : vector<2048x8xi1>, vector<2048x8xf32>
    %reduce_sum3A_267 = arith.constant dense<0.000000e+00> : vector<2048xf32>
    %reduce_sum3A_268 = vector.multi_reduction <add>, %select_n3A_266, %reduce_sum3A_267 [1] : vector<2048x8xf32> to vector<2048xf32>
    %broadcast_in_dim3A_269 = vector.shape_cast %reduce_sum3A_268 : vector<2048xf32> to vector<2048x1xf32>
    %mul3A_270 = vector.broadcast %broadcast_in_dim3A_48 : vector<1x8xf32> to vector<2048x8xf32>
    %mul3A_271 = arith.mulf %mul3A_270, %convert_element_type3A_45 : vector<2048x8xf32>
    %reduce_sum3A_272 = arith.constant dense<0.000000e+00> : vector<2048xf32>
    %reduce_sum3A_273 = vector.multi_reduction <add>, %mul3A_271, %reduce_sum3A_272 [1] : vector<2048x8xf32> to vector<2048xf32>
    %broadcast_in_dim3A_274 = vector.shape_cast %reduce_sum3A_273 : vector<2048xf32> to vector<2048x1xf32>
    %mul3A_275 = vector.broadcast %dot_general3A_235 : vector<1x8xf32> to vector<2048x8xf32>
    %mul3A_276 = arith.mulf %mul3A_275, %convert_element_type3A_45 : vector<2048x8xf32>
    %reduce_sum3A_277 = arith.constant dense<0.000000e+00> : vector<2048xf32>
    %reduce_sum3A_278 = vector.multi_reduction <add>, %mul3A_276, %reduce_sum3A_277 [1] : vector<2048x8xf32> to vector<2048xf32>
    %broadcast_in_dim3A_279 = vector.shape_cast %reduce_sum3A_278 : vector<2048xf32> to vector<2048x1xf32>
    %add3A_280 = arith.addf %broadcast_in_dim3A_269, %broadcast_in_dim3A_274 : vector<2048x1xf32>
    %add3A_281 = arith.addf %add3A_280, %broadcast_in_dim3A_279 : vector<2048x1xf32>
    %convert_element_type3A_282 = arith.fptosi %add3A_281 : vector<2048x1xf32> to vector<2048x1xi32>
    %swap3A_283 = arith.constant 0 : index
    %swap3A_284 = arith.constant 0 : index
    %swap3A_285 = vector.load %arg3[%swap3A_283, %swap3A_284] : memref<2048x1xi32, #tpu.memory_space<vmem>>, vector<2048x1xi32>
    tpu.vector_store %arg3[%swap3A_283, %swap3A_284], %convert_element_type3A_282 {strides = array<i32>} : memref<2048x1xi32, #tpu.memory_space<vmem>>, vector<2048x1xi32>,
    %iota3A_286 = tpu.iota {dimensions = array<i32: 0>} : vector<128x8xi32>
    %mul3A_287 = arith.constant 512 : i32
    %mul3A_288 = vector.broadcast %mul3A_287 : i32 to vector<128x8xi32>
    %mul3A_289 = arith.muli %iota3A_286, %mul3A_288 : vector<128x8xi32>
    %broadcast_in_dim3A_290 = vector.shape_cast %dot_general3A_235 : vector<1x8xf32> to vector<1x8xf32>
    %broadcast_in_dim3A_291 = vector.broadcast %broadcast_in_dim3A_290 : vector<1x8xf32> to vector<128x8xf32>
    %convert_element_type3A_292 = arith.sitofp %mul3A_289 : vector<128x8xi32> to vector<128x8xf32>
    %le3A = arith.cmpf ole, %broadcast_in_dim3A_291, %convert_element_type3A_292 : vector<128x8xf32>
    %convert_element_type3A_293 = arith.extui %le3A : vector<128x8xi1> to vector<128x8xi32>
    %reduce_sum3A_294 = arith.constant dense<0> : vector<128xi32>
    %reduce_sum3A_295 = vector.multi_reduction <add>, %convert_element_type3A_293, %reduce_sum3A_294 [1] : vector<128x8xi32> to vector<128xi32>
    %broadcast_in_dim3A_296 = vector.shape_cast %reduce_sum3A_295 : vector<128xi32> to vector<128x1xi32>
    %sub3A_297 = arith.constant 1 : i32
    %sub3A_298 = vector.broadcast %sub3A_297 : i32 to vector<128x1xi32>
    %sub3A_299 = arith.subi %broadcast_in_dim3A_296, %sub3A_298 : vector<128x1xi32>
    %swap3A_300 = arith.constant 0 : index
    %swap3A_301 = arith.constant 0 : index
    %swap3A_302 = vector.load %arg6[%swap3A_300, %swap3A_301] : memref<128x1xi32, #tpu.memory_space<vmem>>, vector<128x1xi32>
    tpu.vector_store %arg6[%swap3A_300, %swap3A_301], %sub3A_299 {strides = array<i32>} : memref<128x1xi32, #tpu.memory_space<vmem>>, vector<128x1xi32>,
    return
  }
}

module attributes {stable_mosaic.version = 14 : i64} {
  func.func @_ffn_kernel(%arg0: i32, %arg1: memref<16xi32, #tpu.memory_space<smem>>, %arg2: memref<1xi32, #tpu.memory_space<smem>>, %arg3: memref<512x768xf32, #tpu.memory_space<vmem>>, %arg4: memref<1x768x3072xf32, #tpu.memory_space<vmem>>, %arg5: memref<1x3072x768xf32, #tpu.memory_space<vmem>>, %arg6: memref<512x768xf32, #tpu.memory_space<vmem>>) attributes {dimension_semantics = [#tpu.dimension_semantics<arbitrary>], iteration_bounds = array<i64: 16>, scalar_prefetch = 2 : i64, scratch_operands = 0 : i64, tpu.core_type = #tpu.core_type<tc>, window_params = [{transform_indices = @transform_0, window_bounds = array<i64: 512, 768>}, {transform_indices = @transform_1, window_bounds = array<i64: 1, 768, 3072>}, {transform_indices = @transform_2, window_bounds = array<i64: 1, 3072, 768>}, {transform_indices = @transform_3, window_bounds = array<i64: 512, 768>}]} {
    %get3A = arith.constant 0 : index
    %get3A_0 = memref.load %arg2[%get3A] : memref<1xi32, #tpu.memory_space<smem>>
    %lt3A = arith.cmpi slt, %arg0, %get3A_0 : i32
    %convert_element_type3A = arith.extui %lt3A : i1 to i32
    %cond3A = arith.constant 0 : i32
    %cond3A_1 = arith.cmpi ne, %convert_element_type3A, %cond3A : i32
    scf.if %cond3A_1 {
      %get3A_2 = arith.constant 0 : index
      %get3A_3 = arith.constant 0 : index
      %get3A_4 = vector.load %arg3[%get3A_2, %get3A_3] : memref<512x768xf32, #tpu.memory_space<vmem>>, vector<512x768xf32>
      %get3A_5 = arith.constant 0 : index
      %get3A_6 = arith.constant 0 : index
      %get3A_7 = arith.constant 0 : index
      %get3A_8 = vector.load %arg4[%get3A_5, %get3A_6, %get3A_7] : memref<1x768x3072xf32, #tpu.memory_space<vmem>>, vector<1x768x3072xf32>
      %get3A_9 = vector.shape_cast %get3A_8 : vector<1x768x3072xf32> to vector<768x3072xf32>
      %dot_general3A = arith.constant dense<0.000000e+00> : vector<512x3072xf32>
      %dot_general3A_10 = tpu.matmul %get3A_4, %get3A_9, %dot_general3A {dimension_numbers = #tpu.dot_dimension_numbers<[1], [0], [0], [1], [0, 0, 1, 1], [], []>, transpose_lhs_hint = false} : vector<512x768xf32>, vector<768x3072xf32>, vector<512x3072xf32> -> vector<512x3072xf32>
      %integer_pow3A = arith.mulf %dot_general3A_10, %dot_general3A_10 : vector<512x3072xf32>
      %integer_pow3A_11 = arith.mulf %dot_general3A_10, %integer_pow3A : vector<512x3072xf32>
      %mul3A = arith.constant 4.471500e-02 : f32
      %mul3A_12 = vector.broadcast %mul3A : f32 to vector<512x3072xf32>
      %mul3A_13 = arith.mulf %mul3A_12, %integer_pow3A_11 : vector<512x3072xf32>
      %add3A = arith.addf %dot_general3A_10, %mul3A_13 : vector<512x3072xf32>
      %mul3A_14 = arith.constant 0.797884583 : f32
      %mul3A_15 = vector.broadcast %mul3A_14 : f32 to vector<512x3072xf32>
      %mul3A_16 = arith.mulf %mul3A_15, %add3A : vector<512x3072xf32>
      %tanh3A = math.tanh %mul3A_16 : vector<512x3072xf32>
      %add3A_17 = arith.constant 1.000000e+00 : f32
      %add3A_18 = vector.broadcast %add3A_17 : f32 to vector<512x3072xf32>
      %add3A_19 = arith.addf %add3A_18, %tanh3A : vector<512x3072xf32>
      %mul3A_20 = arith.constant 5.000000e-01 : f32
      %mul3A_21 = vector.broadcast %mul3A_20 : f32 to vector<512x3072xf32>
      %mul3A_22 = arith.mulf %mul3A_21, %add3A_19 : vector<512x3072xf32>
      %mul3A_23 = arith.mulf %dot_general3A_10, %mul3A_22 : vector<512x3072xf32>
      %get3A_24 = arith.constant 0 : index
      %get3A_25 = arith.constant 0 : index
      %get3A_26 = arith.constant 0 : index
      %get3A_27 = vector.load %arg5[%get3A_24, %get3A_25, %get3A_26] : memref<1x3072x768xf32, #tpu.memory_space<vmem>>, vector<1x3072x768xf32>
      %get3A_28 = vector.shape_cast %get3A_27 : vector<1x3072x768xf32> to vector<3072x768xf32>
      %dot_general3A_29 = arith.constant dense<0.000000e+00> : vector<512x768xf32>
      %dot_general3A_30 = tpu.matmul %mul3A_23, %get3A_28, %dot_general3A_29 {dimension_numbers = #tpu.dot_dimension_numbers<[1], [0], [0], [1], [0, 0, 1, 1], [], []>, transpose_lhs_hint = false} : vector<512x3072xf32>, vector<3072x768xf32>, vector<512x768xf32> -> vector<512x768xf32>
      %swap3A = arith.constant 0 : index
      %swap3A_31 = arith.constant 0 : index
      %swap3A_32 = vector.load %arg6[%swap3A, %swap3A_31] : memref<512x768xf32, #tpu.memory_space<vmem>>, vector<512x768xf32>
      tpu.vector_store %arg6[%swap3A, %swap3A_31], %dot_general3A_30 {strides = array<i32>} : memref<512x768xf32, #tpu.memory_space<vmem>>, vector<512x768xf32>,
    } else {
    }
    return
  }
  func.func @transform_0(%arg0: i32, %arg1: memref<16xi32, #tpu.memory_space<smem>>, %arg2: memref<1xi32, #tpu.memory_space<smem>>) -> (i32, i32) {
    %c0_i32 = arith.constant 0 : i32
    %c0_i32_0 = arith.constant 0 : i32
    return %arg0, %c0_i32 : i32, i32
  }
  func.func @transform_1(%arg0: i32, %arg1: memref<16xi32, #tpu.memory_space<smem>>, %arg2: memref<1xi32, #tpu.memory_space<smem>>) -> (i32, i32, i32) {
    %get3A = arith.index_cast %arg0 : i32 to index
    %get3A_0 = memref.load %arg1[%get3A] : memref<16xi32, #tpu.memory_space<smem>>
    %c0_i32 = arith.constant 0 : i32
    %c0_i32_1 = arith.constant 0 : i32
    %c0_i32_2 = arith.constant 0 : i32
    return %get3A_0, %c0_i32, %c0_i32_1 : i32, i32, i32
  }
  func.func @transform_2(%arg0: i32, %arg1: memref<16xi32, #tpu.memory_space<smem>>, %arg2: memref<1xi32, #tpu.memory_space<smem>>) -> (i32, i32, i32) {
    %get3A = arith.index_cast %arg0 : i32 to index
    %get3A_0 = memref.load %arg1[%get3A] : memref<16xi32, #tpu.memory_space<smem>>
    %c0_i32 = arith.constant 0 : i32
    %c0_i32_1 = arith.constant 0 : i32
    %c0_i32_2 = arith.constant 0 : i32
    return %get3A_0, %c0_i32, %c0_i32_1 : i32, i32, i32
  }
  func.func @transform_3(%arg0: i32, %arg1: memref<16xi32, #tpu.memory_space<smem>>, %arg2: memref<1xi32, #tpu.memory_space<smem>>) -> (i32, i32) {
    %c0_i32 = arith.constant 0 : i32
    %c0_i32_0 = arith.constant 0 : i32
    return %arg0, %c0_i32 : i32, i32
  }
}

module attributes {stable_mosaic.version = 14 : i64} {
  func.func @_add_kernel(%arg0: memref<2048x768xf32, #tpu.memory_space<vmem>>, %arg1: memref<2048x768xf32, #tpu.memory_space<vmem>>, %arg2: memref<2048x1xf32, #tpu.memory_space<vmem>>, %arg3: memref<2048x1xf32, #tpu.memory_space<vmem>>, %arg4: memref<2048x768xf32, #tpu.memory_space<vmem>>) attributes {dimension_semantics = [], scalar_prefetch = 0 : i64, scratch_operands = 0 : i64, tpu.core_type = #tpu.core_type<tc>} {
    %get3A = arith.constant 0 : index
    %get3A_0 = arith.constant 0 : index
    %get3A_1 = vector.load %arg2[%get3A, %get3A_0] : memref<2048x1xf32, #tpu.memory_space<vmem>>, vector<2048x1xf32>
    %get3A_2 = arith.constant 0 : index
    %get3A_3 = arith.constant 0 : index
    %get3A_4 = vector.load %arg0[%get3A_2, %get3A_3] : memref<2048x768xf32, #tpu.memory_space<vmem>>, vector<2048x768xf32>
    %mul3A = vector.broadcast %get3A_1 : vector<2048x1xf32> to vector<2048x768xf32>
    %mul3A_5 = arith.mulf %mul3A, %get3A_4 : vector<2048x768xf32>
    %get3A_6 = arith.constant 0 : index
    %get3A_7 = arith.constant 0 : index
    %get3A_8 = vector.load %arg3[%get3A_6, %get3A_7] : memref<2048x1xf32, #tpu.memory_space<vmem>>, vector<2048x1xf32>
    %get3A_9 = arith.constant 0 : index
    %get3A_10 = arith.constant 0 : index
    %get3A_11 = vector.load %arg1[%get3A_9, %get3A_10] : memref<2048x768xf32, #tpu.memory_space<vmem>>, vector<2048x768xf32>
    %mul3A_12 = vector.broadcast %get3A_8 : vector<2048x1xf32> to vector<2048x768xf32>
    %mul3A_13 = arith.mulf %mul3A_12, %get3A_11 : vector<2048x768xf32>
    %add3A = arith.addf %mul3A_5, %mul3A_13 : vector<2048x768xf32>
    %swap3A = arith.constant 0 : index
    %swap3A_14 = arith.constant 0 : index
    %swap3A_15 = vector.load %arg4[%swap3A, %swap3A_14] : memref<2048x768xf32, #tpu.memory_space<vmem>>, vector<2048x768xf32>
    tpu.vector_store %arg4[%swap3A, %swap3A_14], %add3A {strides = array<i32>} : memref<2048x768xf32, #tpu.memory_space<vmem>>, vector<2048x768xf32>,
    return
  }
}

</mosaic_0001>

<sc_bundles>
// kernel: kernel.10.cloned.1.call-start
scs
__scs_entry_jumppad:
0x0: {  	(pc) =	sbr.rel $0x88, $3  }
0x1: {  	(tag) =	ssettag $0x0;
	lr =	simm.s32 $0x1  }
0x2: {  	[smem:$0x3F9D] =	sst lr;
	_ =	strace $0xD0000000  }
0x3: {  	_ = 	snop  }
0x4: {  	_ = 	snop  }
0x5: {  	_ = 	snop  }
0x6: {  	_ = 	snop  }
0x7: {  	_ = 	snop  }
__scs_overlays_trampoline_lowered:
0x8: {  	[smem:$0x3FAC] =	sst s0  }
0x9: {  	[smem:$0x3FAD] =	sst s1  }
0xa: {  	[smem:$0x3FAE] =	sst s2  }
0xb: {  	[smem:$0x3FAF] =	sst s3  }
0xc: {  	[smem:$0x3FB0] =	sst s4  }
0xd: {  	[smem:$0x3FB1] =	sst s5  }
0xe: {  	[smem:$0x3FB2] =	sst s6  }
0xf: {  	[smem:$0x3FB3] =	sst s7  }
0x10: {  	[smem:$0x3FB4] =	sst s8  }
0x11: {  	[smem:$0x3FB5] =	sst s9;
	s0 =	simm.s32 @!p0 $0x0  }
0x12: {  	s1 =	sld [smem:$0x3F9B];
	s0 =	simm.s32 @p0 $0x1  }
0x13: {  	[smem:$0x3FB6] =	sst s0;
	s0 =	simm.s32 @!p1 $0x0  }
0x14: {  	s2 =	sld [smem:$0x3F9A];
	s0 =	simm.s32 @p1 $0x1  }
0x15: {  	[smem:$0x3FB7] =	sst s0;
	s0 =	simm.s32 @!p2 $0x0  }
0x16: {  	s3 =	sld [smem:$0x3FDB];
	s0 =	simm.s32 @p2 $0x1  }
0x17: {  	s4 =	simm.s32 $0x1BF5;
	[smem:$0x3FB9] =	sst s0  }
0x18: {  	s0 =	sld [smem:$0x3F9C];
	_ =	swait.ge [sflag:s4], $0x0  }
0x19: {  	s7 =	sld [smem:$0x3F9D]  }
0x1a: {  	s8 =	sadd.s32 $0xFFFFE003, lr  }
0x1b: {  	s9 =	sadd.s32 $0xFFFFFEF7, lr;
	s5 =	simm.s32 $0xFFFFFFFF;
	p2 =	slt.u32 s8, $0xFFFFF086  }
0x1c: {  	p1 =	slt.u32 s9, $0xF7A;
	s5 =	simm.s32 @!p2 $0x0  }
0x1d: {  	s5 =	simm.s32 @p1 $0x1;
	p0 =	seq.s32 s7, s2  }
0x1e: {  	s7 =	smul.u32 @!p0 $0xF7A, s2;
	p2 =	seq.s32 @!p0 s5, $0x0  }
0x1f: {  	s9 =	smul.u32 $0xF7A, s1;
	s8 =	simm.s32 @!p0 $0x1BF5;
	p2 =	por !p2, p0  }
0x20: {  	[sflag:s8] =	ssyncset.s32 @!p0 $0xFFFFF086;
	s6 =	sadd.s32 @!p0 s3, s7;
	s7 =	simm.s32 @!p0 $0x108  }
0x21: {  	s3 =	sadd.s32 s3, s9;
	s6 =	sadd.s32 @!p0 $0x88, s6;
	s7 =	simm.s32 @p2 $0x1082  }
0x22: {  	[simem:s7], [sflag:s8] =	dma.local @!p0 [hbm:s6], $0xF7A  }
0x23: {  	s9 =	sor.u32 $0xD0000000, s2;
	s6 =	simm.s32 $0x108;
	_ =	swait.ge @!p0 [sflag:s8], $0x0  }
0x24: {  	s3 =	sadd.s32 $0x88, s3;
	s6 =	simm.s32 @!p1 $0x1082;
	[sflag:s4] =	ssyncset.s32 $0xFFFFF086  }
0x25: {  	[simem:s6], [sflag:s4] =	dma.local [hbm:s3], $0xF7A  }
0x26: {  	[smem:$0x3F9D] =	sst s1;
	(tag) =	ssettag s2;
	_ =	strace s9  }
0x27: {  	s1 =	sld [smem:$0x3FAD]  }
0x28: {  	s2 =	sld [smem:$0x3FAE]  }
0x29: {  	s4 =	sld [smem:$0x3FB0]  }
0x2a: {  	p0 =	seq.s32 s5, $0x0;
	s5 =	sld [smem:$0x3FB1]  }
0x2b: {  	s6 =	sld [smem:$0x3FB2]  }
0x2c: {  	s7 =	sld [smem:$0x3FB3]  }
0x2d: {  	s3 =	simm.s32 $0x108;
	s8 =	sld [smem:$0x3FB4]  }
0x2e: {  	s3 =	simm.s32 @!p0 $0x1082;
	s9 =	sld [smem:$0x3FB5]  }
0x2f: {  	lr =	sadd.s32 s0, s3;
	s0 =	sld [smem:$0x3FAC]  }
0x30: {  	s3 =	sld [smem:$0x3FAF]  }
0x31: {  	[smem:$0x3FB8] =	sst s10  }
0x32: {  	s10 =	sld [smem:$0x3FB6];
	_ =	sdelay $0x3  }
0x33: {  	p0 =	seq.s32 s10, $0x1;
	s10 =	sld [smem:$0x3FB8];
	_ =	sdelay $0x3  }
0x34: {  	[smem:$0x3FB8] =	sst s10  }
0x35: {  	s10 =	sld [smem:$0x3FB7];
	_ =	sdelay $0x3  }
0x36: {  	p1 =	seq.s32 s10, $0x1;
	s10 =	sld [smem:$0x3FB8];
	_ =	sdelay $0x3  }
0x37: {  	[smem:$0x3FB8] =	sst s10  }
0x38: {  	s10 =	sld [smem:$0x3FB9]  }
0x39: {  	_ = 	snop;
	(pc) =	sbr.ind lr, $3  }
0x3a: {  	_ = 	snop  }
0x3b: {  	_ = 	snop  }
0x3c: {  	p2 =	seq.s32 s10, $0x1;
	s10 =	sld [smem:$0x3FB8]  }
0x3d: {  	_ =	shalt  }
0x3e: {  	_ =	shalt  }
0x3f: {  	_ =	shalt  }
0x40: {  	_ =	shalt  }
0x41: {  	_ =	shalt  }
0x42: {  	_ =	shalt  }
0x43: {  	_ =	shalt  }
0x44: {  	_ =	shalt  }
0x45: {  	_ =	shalt  }
0x46: {  	_ =	shalt  }
0x47: {  	_ =	shalt  }
0x48: {  	_ =	shalt  }
0x49: {  	_ =	shalt  }
0x4a: {  	_ =	shalt  }
0x4b: {  	_ =	shalt  }
0x4c: {  	_ =	shalt  }
0x4d: {  	_ =	shalt  }
0x4e: {  	_ =	shalt  }
0x4f: {  	_ =	shalt  }
0x50: {  	_ =	shalt  }
0x51: {  	_ =	shalt  }
0x52: {  	_ =	shalt  }
0x53: {  	_ =	shalt  }
0x54: {  	_ =	shalt  }
0x55: {  	_ =	shalt  }
0x56: {  	_ =	shalt  }
0x57: {  	_ =	shalt  }
0x58: {  	_ =	shalt  }
0x59: {  	_ =	shalt  }
0x5a: {  	_ =	shalt  }
0x5b: {  	_ =	shalt  }
0x5c: {  	_ =	shalt  }
0x5d: {  	_ =	shalt  }
0x5e: {  	_ =	shalt  }
0x5f: {  	_ =	shalt  }
0x60: {  	_ =	shalt  }
0x61: {  	_ =	shalt  }
0x62: {  	_ =	shalt  }
0x63: {  	_ =	shalt  }
0x64: {  	_ =	shalt  }
0x65: {  	_ =	shalt  }
0x66: {  	_ =	shalt  }
0x67: {  	_ =	shalt  }
0x68: {  	_ =	shalt  }
0x69: {  	_ =	shalt  }
0x6a: {  	_ =	shalt  }
0x6b: {  	_ =	shalt  }
0x6c: {  	_ =	shalt  }
0x6d: {  	_ =	shalt  }
0x6e: {  	_ =	shalt  }
0x6f: {  	_ =	shalt  }
0x70: {  	_ =	shalt  }
0x71: {  	_ =	shalt  }
0x72: {  	_ =	shalt  }
0x73: {  	_ =	shalt  }
0x74: {  	_ =	shalt  }
0x75: {  	_ =	shalt  }
0x76: {  	_ =	shalt  }
0x77: {  	_ =	shalt  }
0x78: {  	_ =	shalt  }
0x79: {  	_ =	shalt  }
0x7a: {  	_ =	shalt  }
0x7b: {  	_ =	shalt  }
0x7c: {  	_ =	shalt  }
0x7d: {  	_ =	shalt  }
0x7e: {  	_ =	shalt  }
0x7f: {  	_ =	shalt  }
0x80: {  	_ =	shalt  }
0x81: {  	_ =	shalt  }
0x82: {  	_ =	shalt  }
0x83: {  	_ =	shalt  }
0x84: {  	_ =	shalt  }
0x85: {  	_ =	shalt  }
0x86: {  	_ =	shalt  }
0x87: {  	_ =	shalt  }
.Lfunc_end0:
.L_simem_size_0:
called_computation.1_lowered:
.L_overlay_start_0:
0x88: {  	s2 =	sld [smem:$0x3FD9]  }
0x89: {  	s3 =	sld [smem:$0x3FFE];
	_ =	sdelay $0x1  }
0x8a: {  	s1 =	srdreg.scid  }
0x8b: {  	s0 =	sand.u32 $0x1, s1  }
0x8c: {  	s14 =	sshll.u32 s0, $0xA;
	s2 =	sadd.s32 s3, s2  }
0x8d: {  	s2 =	sadd.s32 s2, s14  }
0x8e: {  	[smem:$0x3FC4] =	sst s2  }
0x8f: {  	_ = 	snop  }
0x90: {  	s2 =	sld [smem:$0x3FD0];
	_ =	sdelay $0x2  }
0x91: {  	s15 =	simm.s32 $0xA;
	s4 =	simm.s32 $0x10  }
0x92: {  	[smem:s4], [sflag:s15] =	dma.local [hbm:s2], $0x1  }
0x93: {  	_ =	swait.eq [sflag:s15], $0x1  }
0x94: {  	[sflag:s15] =	ssyncset.done $0x0  }
0x95: {  	[sflag:s15] =	ssyncadd.s32 $0xFFFFFFFF  }
0x96: {  	s16 =	sld [smem:$0x10];
	(tm) =	ssettm $0x1  }
0x97: {  	s17 =	sld [smem:$0x3FFB];
	_ =	sdelay $0x3  }
0x98: {  	_ =	strace s17  }
0x99: {  	s3 =	sld [smem:$0x3FFC];
	_ =	sdelay $0x3  }
0x9a: {  	_ =	strace s3  }
0x9b: {  	s3 =	sld [smem:$0x3FFD];
	_ =	sdelay $0x3  }
0x9c: {  	_ =	strace s3  }
0x9d: {  	_ =	strace $0x8FFFFFFF  }
0x9e: {  	s18 =	sld [smem:$0x3FDB];
	_ =	sdelay $0x1  }
0x9f: {  	s19 =	simm.s32 $_scs_section_size  }
0xa0: {  	s5 =	simm.s32 $_size__tile_overlayer_lowered;
	s6 =	simm.s32 $_tile_overlayer_lowered  }
0xa1: {  	s22 =	simm.s32 $0x1BFF;
	s21 =	sshll.u32 s6, $0x1;
	s3 =	sadd.s32 s19, s18  }
0xa2: {  	s7 =	simm.s32 $0x0;
	s20 =	sshll.u32 s5, $0x1;
	s5 =	sadd.s32 s21, s3  }
0xa3: {  	[timem:s7], [sflag:s22] =	dma.local [hbm:s5], s20  }
0xa4: {  	_ =	swait.ge [sflag:s22], s20  }
0xa5: {  	s4 =	ssub.s32 $0x0, s20;
	[sflag:s22] =	ssyncset.done $0x0  }
0xa6: {  	[sflag:s22] =	ssyncadd.s32 s4;
	_ =	sdelay $0x1  }
0xa7: {  	s23 =	simm.s32 $0x1B8B  }
0xa8: {  	_ =	swait.ge [sflag:s23], $0x1  }
0xa9: {  	[sflag:s23] =	ssyncset.done $0x0  }
0xaa: {  	s25 =	simm.s32 $0x1B8E;
	s24 =	sld [smem:$0x3FFE];
	[sflag:s23] =	ssyncadd.s32 $0xFFFFFFFF  }
0xab: {  	s26 =	simm.s32 $execute0_lowered;
	[smem:$0x3FD2] =	sst s25  }
0xac: {  	s5 =	sshll.u32 s26, $0x1;
	_ =	strace $0x80000049;
	[dreg:$0x1] =	wrdreg $0xFFFFFFFF  }
0xad: {  	s28 =	simm.s32 $_size_execute0_lowered;
	s3 =	sadd.s32 s3, s5;
	[dreg:$0x0] =	wrdreg $0x0  }
0xae: {  	s5 =	sshll.u32 s28, $0x1;
	[dreg:$0x2] =	wrdreg s3  }
0xaf: {  	[dreg:$0x3] =	wrdreg s5  }
0xb0: {  	[dreg:$0x4] =	wrdreg $0xC0  }
0xb1: {  	_ =	task [dreg:s7], $0x5FFFF  }
0xb2: {  	[dreg:$0x1] =	wrdreg $0xFFFFFFFF  }
0xb3: {  	[dreg:$0x0] =	wrdreg $0x60  }
0xb4: {  	[dreg:$0x2] =	wrdreg s24  }
0xb5: {  	[dreg:$0x3] =	wrdreg s16  }
0xb6: {  	[dreg:$0x4] =	wrdreg $0x9  }
0xb7: {  	_ =	task.clear_ibuf [dreg:s7], $0x5FFFF;
	_ =	strace $0x90000049  }
0xb8: {  	s29 =	simm.s32 $0x9;
	_ =	strace $0x8000004B  }
0xb9: {  	_ =	swait.ge [sflag:s29], $0x1  }
0xba: {  	[sflag:s29] =	ssyncadd.s32 $0xFFFFFFFF  }
0xbb: {  	_ =	strace $0x9000004B  }
0xbc: {  	_ =	sfence  }
0xbd: {  	s30 =	sld [smem:$0x0];
	_ =	sdelay $0x2  }
0xbe: {  	s31 =	sshll.u32 s1, $0xD;
	s1 =	sshrl.u32 s1, $0x2  }
0xbf: {  	s3 =	sand.u32 $0x4000, s31;
	s1 =	sadd.s32 s1, s30  }
0xc0: {  	s0 =	sor.u32 s3, s0;
	s1 =	sshll.u32 s1, $0x11  }
0xc1: {  	s0 =	sor.u32 s1, s0  }
0xc2: {  	s0 =	sadd.s32 $0x8F2B, s0  }
0xc3: {  	[sflag:s0] =	ssyncadd.remote.s32 $0x1  }
0xc4: {  	_ =	sfence.sel $0xFFFF  }
0xc5: {  	[dreg:$0x0] =	wrdreg $0xFFFFFFFF;
	(pc) =	sbr.abs _section_cstart, $3  }
0xc6: {  	[dreg:$0x1] =	wrdreg $0xFFFFFFFF  }
0xc7: {  	_ =	task.clear_ibuf [dreg:s7], $0x2FFFF;
	_ =	strace $0x9FFFFFFF  }
0xc8: {  	(tm) =	ssettm $0x7FFFFFFF  }
0xc9: {  	_ =	shalt  }
tec
execute0_lowered:
.L_overlay_start_1:
0x0: {  	(tag) =	ssettag $0x1  }
0x1: {  	s2 =	srdreg.scid;
	s1 =	rddreg [dreg:$0x0]  }
0x2: {  	s3 =	rddreg [dreg:$0x1];
	s4 =	sand.u32 $0x1, s2;
	s2 =	simm.s32 $0x0  }
0x3: {  	s22 =	simm.s32 $0x80;
	[smem:$0x7FF] =	sst s2  }
0x4: {  	s23 =	simm.s32 $0x900;
	_ =	strace $0x8000004A;
	[dreg:$0x7] =	wrdreg s22  }
0x5: {  	s24 =	simm.s32 $0x1100;
	[dreg:$0x8] =	wrdreg s23  }
0x6: {  	s25 =	simm.s32 $0x1900;
	[dreg:$0x9] =	wrdreg s24  }
0x7: {  	s0 =	stileid.u32;
	s26 =	simm.s32 $0x2100;
	[dreg:$0xa] =	wrdreg s25  }
0x8: {  	s5 =	sshll.u32 s0, $0x4;
	s0 =	simm.s32 $0x2900;
	[dreg:$0xb] =	wrdreg s26  }
0x9: {  	s8 =	simm.s32 $0x4900;
	[dreg:$0xc] =	wrdreg s0  }
0xa: {  	s9 =	simm.s32 $0x5100;
	[dreg:$0x10] =	wrdreg s8  }
0xb: {  	s10 =	simm.s32 $0x5900;
	[dreg:$0x11] =	wrdreg s9  }
0xc: {  	s11 =	simm.s32 $0x6100;
	s12 =	simm.s32 $0x6900;
	[dreg:$0x12] =	wrdreg s10  }
0xd: {  	s13 =	simm.s32 $0x7100;
	s14 =	simm.s32 $0x7900;
	[dreg:$0x13] =	wrdreg s11  }
0xe: {  	s15 =	simm.s32 $0x8100;
	s16 =	simm.s32 $0x8900;
	[dreg:$0x14] =	wrdreg s12  }
0xf: {  	s17 =	simm.s32 $0x9100;
	s18 =	simm.s32 $0x9900;
	[dreg:$0x15] =	wrdreg s13  }
0x10: {  	s28 =	simm.s32 $0x16900;
	s29 =	simm.s32 $0x17100;
	[dreg:$0x16] =	wrdreg s14  }
0x11: {  	s30 =	simm.s32 $0x17900;
	s31 =	simm.s32 $0x1;
	[dreg:$0x17] =	wrdreg s15  }
0x12: {  	s6 =	sshll.u32 s4, $0x3;
	s4 =	ssub.s32 $0x2, s4;
	[dreg:$0x18] =	wrdreg s16  }
0x13: {  	s5 =	sor.u32 s6, s5;
	[dreg:$0x19] =	wrdreg s17;
	s19 =	sshrl.u32 s4, $0x1  }
0x14: {  	[dreg:$0x1a] =	wrdreg s18;
	s22 =	simm.s32 $0xB100;
	s23 =	simm.s32 $0xB900  }
0x15: {  	s24 =	simm.s32 $0xC900;
	s25 =	simm.s32 $0xD100;
	s8 =	simm.s32 $0x100  }
0x16: {  	s26 =	simm.s32 $0xD900;
	s9 =	simm.s32 $0xC100;
	s11 =	simm.s32 $0xE900  }
0x17: {  	s12 =	simm.s32 $0xF100;
	s13 =	simm.s32 $0xF900;
	[dreg:$0x1d] =	wrdreg s22  }
0x18: {  	s14 =	simm.s32 $0x10100;
	s15 =	simm.s32 $0x10900;
	[dreg:$0x1e] =	wrdreg s23  }
0x19: {  	s16 =	simm.s32 $0x11100;
	s17 =	simm.s32 $0x11900;
	[dreg:$0x1f] =	wrdreg s24  }
0x1a: {  	s18 =	simm.s32 $0x12100;
	s6 =	sadd.s32 s5, s1;
	[smem:$0x7FC] =	sst s25  }
0x1b: {  	s5 =	smul.u32 $0x300, s5;
	[smem:$0x7FD] =	sst s26;
	s7 =	sadd.s32 $0x400, s6  }
0x1c: {  	s22 =	simm.s32 $0x14100;
	s6 =	sadd.s32 $0x600, s6;
	[dreg:$0x3] =	wrdreg s7  }
0x1d: {  	s23 =	simm.s32 $0x14900;
	[dreg:$0x4] =	wrdreg s6;
	s3 =	sadd.s32 s3, s5  }
0x1e: {  	s20 =	sadd.s32 s5, s1;
	s5 =	simm.s32 $0x3100;
	[dreg:$0x5] =	wrdreg s3  }
0x1f: {  	s24 =	simm.s32 $0x15100;
	s6 =	simm.s32 $0x3900;
	[dreg:$0xd] =	wrdreg s5  }
0x20: {  	s25 =	simm.s32 $0x15900;
	s7 =	simm.s32 $0x4100;
	[dreg:$0xe] =	wrdreg s6  }
0x21: {  	s26 =	simm.s32 $0x16100;
	s21 =	sadd.s32 $0x800, s20;
	[dreg:$0xf] =	wrdreg s7  }
0x22: {  	s3 =	sadd.s32 $0xC0A00, s1;
	s20 =	simm.s32 $0xA100;
	s6 =	ssub.s32 s4, s19  }
0x23: {  	s4 =	sadd.s32 $0xC0B00, s1;
	s5 =	sadd.s32 $0xC0C00, s1;
	s7 =	simm.s32 $0x3  }
0x24: {  	v2 =	vlaneseq.u32;
	s19 =	simm.s32 $0x12900;
	s1 =	simm.s32 $0x2;
	[dreg:$0x6] =	wrdreg s21  }
0x25: {  	vm0 =	vmmov $0xffff;
	v1 =	vshrl.u32 v2, $0x3;
	[dreg:$0x1b] =	wrdreg s20;
	s21 =	simm.s32 $0xA900;
	s6 =	smax.u32 s6, $0x1  }
0x26: {  	v0 =	vand.u32 $0x7, v2;
	v2 =	vor.u32 $0x8, v2;
	v1 =	vmul.u32 $0x8, v1;
	s20 =	simm.s32 $0x13100;
	[dreg:$0x1c] =	wrdreg s21;
	s21 =	simm.s32 $0x13900  }
.LBB2_1:
0x27: {  	s0 =	rddreg [dreg:$0x3]  }
0x28: {  	[tilespmem:s2], [sflag:$0x3] =	stream.linear.gather [hbm4b:s0+s2], $0x40, $0x38;
	[tilespmem:$0x18100] =	vst v63  }
0x29: {  	_ =	swait.ge [sflag:s7], $0x40  }
0x2a: {  	s0 =	rddreg [dreg:$0x4];
	[sflag:s7] =	ssyncset.done $0x0  }
0x2b: {  	s10 =	rddreg [dreg:$0x7];
	[sflag:s7] =	ssyncadd.s32 $0xFFFFFFC0  }
0x2c: {  	[tilespmem:s10], [sflag:$0x3] =	stream.linear.gather [hbm4b:s0+s2], $0x40, $0x38;
	[tilespmem:$0x18100] =	vst v63  }
0x2d: {  	_ =	swait.ge [sflag:s7], $0x40  }
0x2e: {  	[sflag:s7] =	ssyncset.done $0x0  }
0x2f: {  	[sflag:s7] =	ssyncadd.s32 $0xFFFFFFC0  }
0x30: {  	v3 =	vld [tilespmem:$0x0];
	_ =	sdelay $0x4  }
0x31: {  	v4 =	vshrl.u32 v3, $0x3  }
0x32: {  	v4 =	vmul.u32 $0x30, v4  }
0x33: {  	v3 =	vand.u32 $0x7, v3  }
0x34: {  	v3 =	vor.u32 v3, v4  }
0x35: {  	v4 =	vperm.xlane v3, v0;
	_ =	sdelay $0x1  }
0x36: {  	v4 =	vadd.s32 v1, v4;
	_ =	sdelay $0x3  }
0x37: {  	v3 =	vperm.xlane v3, v2  }
0x38: {  	[tilespmem:s8], [sflag:$0x1] =	stream.indirect_vreg.gather [hbm4b:s3+s2], $0x80, v4, vm0, $0xb8;
	[tilespmem:$0x18100] =	vst v63  }
0x39: {  	s0 =	rddreg [dreg:$0x8];
	v3 =	vadd.s32 v1, v3  }
0x3a: {  	[tilespmem:s0], [sflag:$0x1] =	stream.indirect_vreg.gather [hbm4b:s4+s2], $0x80, v4, vm0, $0xb8;
	[tilespmem:$0x18100] =	vst v63  }
0x3b: {  	s10 =	rddreg [dreg:$0x9]  }
0x3c: {  	[tilespmem:s10], [sflag:$0x1] =	stream.indirect_vreg.gather [hbm4b:s5+s2], $0x80, v4, vm0, $0xb8;
	[tilespmem:$0x18100] =	vst v63  }
0x3d: {  	s0 =	rddreg [dreg:$0xa]  }
0x3e: {  	[tilespmem:s0], [sflag:$0x1] =	stream.indirect_vreg.gather [hbm4b:s3+s2], $0x80, v3, vm0, $0xb8;
	[tilespmem:$0x18100] =	vst v63  }
0x3f: {  	s10 =	rddreg [dreg:$0xb]  }
0x40: {  	[tilespmem:s10], [sflag:$0x1] =	stream.indirect_vreg.gather [hbm4b:s4+s2], $0x80, v3, vm0, $0xb8;
	[tilespmem:$0x18100] =	vst v63  }
0x41: {  	s0 =	rddreg [dreg:$0xc]  }
0x42: {  	[tilespmem:s0], [sflag:$0x1] =	stream.indirect_vreg.gather [hbm4b:s5+s2], $0x80, v3, vm0, $0xb8;
	[tilespmem:$0x18100] =	vst v63  }
0x43: {  	v3 =	vld [tilespmem:$0x10];
	_ =	sdelay $0x4  }
0x44: {  	v57 =	vshrl.u32 v3, $0x3  }
0x45: {  	v4 =	vmul.u32 $0x30, v57  }
0x46: {  	v3 =	vand.u32 $0x7, v3  }
0x47: {  	v3 =	vor.u32 v3, v4  }
0x48: {  	v4 =	vperm.xlane v3, v0;
	_ =	sdelay $0x1  }
0x49: {  	v4 =	vadd.s32 v1, v4;
	_ =	sdelay $0x3  }
0x4a: {  	s0 =	rddreg [dreg:$0xd];
	v3 =	vperm.xlane v3, v2  }
0x4b: {  	[tilespmem:s0], [sflag:$0x1] =	stream.indirect_vreg.gather [hbm4b:s3+s2], $0x80, v4, vm0, $0xb8;
	[tilespmem:$0x18100] =	vst v63  }
0x4c: {  	s10 =	rddreg [dreg:$0xe];
	v3 =	vadd.s32 v1, v3  }
0x4d: {  	[tilespmem:s10], [sflag:$0x1] =	stream.indirect_vreg.gather [hbm4b:s4+s2], $0x80, v4, vm0, $0xb8;
	[tilespmem:$0x18100] =	vst v63  }
0x4e: {  	s0 =	rddreg [dreg:$0xf]  }
0x4f: {  	[tilespmem:s0], [sflag:$0x1] =	stream.indirect_vreg.gather [hbm4b:s5+s2], $0x80, v4, vm0, $0xb8;
	[tilespmem:$0x18100] =	vst v63  }
0x50: {  	s10 =	rddreg [dreg:$0x10]  }
0x51: {  	[tilespmem:s10], [sflag:$0x1] =	stream.indirect_vreg.gather [hbm4b:s3+s2], $0x80, v3, vm0, $0xb8;
	[tilespmem:$0x18100] =	vst v63  }
0x52: {  	s0 =	rddreg [dreg:$0x11]  }
0x53: {  	[tilespmem:s0], [sflag:$0x1] =	stream.indirect_vreg.gather [hbm4b:s4+s2], $0x80, v3, vm0, $0xb8;
	[tilespmem:$0x18100] =	vst v63  }
0x54: {  	s10 =	rddreg [dreg:$0x12]  }
0x55: {  	[tilespmem:s10], [sflag:$0x1] =	stream.indirect_vreg.gather [hbm4b:s5+s2], $0x80, v3, vm0, $0xb8;
	[tilespmem:$0x18100] =	vst v63  }
0x56: {  	v3 =	vld [tilespmem:$0x20];
	_ =	sdelay $0x4  }
0x57: {  	v58 =	vshrl.u32 v3, $0x3  }
0x58: {  	v4 =	vmul.u32 $0x30, v58  }
0x59: {  	v3 =	vand.u32 $0x7, v3  }
0x5a: {  	v3 =	vor.u32 v3, v4  }
0x5b: {  	v4 =	vperm.xlane v3, v0;
	_ =	sdelay $0x1  }
0x5c: {  	v4 =	vadd.s32 v1, v4;
	_ =	sdelay $0x3  }
0x5d: {  	s0 =	rddreg [dreg:$0x13];
	v3 =	vperm.xlane v3, v2  }
0x5e: {  	[tilespmem:s0], [sflag:$0x1] =	stream.indirect_vreg.gather [hbm4b:s3+s2], $0x80, v4, vm0, $0xb8;
	[tilespmem:$0x18100] =	vst v63  }
0x5f: {  	s10 =	rddreg [dreg:$0x14];
	v3 =	vadd.s32 v1, v3  }
0x60: {  	[tilespmem:s10], [sflag:$0x1] =	stream.indirect_vreg.gather [hbm4b:s4+s2], $0x80, v4, vm0, $0xb8;
	[tilespmem:$0x18100] =	vst v63  }
0x61: {  	s0 =	rddreg [dreg:$0x15]  }
0x62: {  	[tilespmem:s0], [sflag:$0x1] =	stream.indirect_vreg.gather [hbm4b:s5+s2], $0x80, v4, vm0, $0xb8;
	[tilespmem:$0x18100] =	vst v63  }
0x63: {  	s10 =	rddreg [dreg:$0x16]  }
0x64: {  	[tilespmem:s10], [sflag:$0x1] =	stream.indirect_vreg.gather [hbm4b:s3+s2], $0x80, v3, vm0, $0xb8;
	[tilespmem:$0x18100] =	vst v63  }
0x65: {  	s0 =	rddreg [dreg:$0x17]  }
0x66: {  	[tilespmem:s0], [sflag:$0x1] =	stream.indirect_vreg.gather [hbm4b:s4+s2], $0x80, v3, vm0, $0xb8;
	[tilespmem:$0x18100] =	vst v63  }
0x67: {  	s10 =	rddreg [dreg:$0x18]  }
0x68: {  	[tilespmem:s10], [sflag:$0x1] =	stream.indirect_vreg.gather [hbm4b:s5+s2], $0x80, v3, vm0, $0xb8;
	[tilespmem:$0x18100] =	vst v63  }
0x69: {  	v3 =	vld [tilespmem:$0x30];
	_ =	sdelay $0x4  }
0x6a: {  	v59 =	vshrl.u32 v3, $0x3  }
0x6b: {  	v4 =	vmul.u32 $0x30, v59  }
0x6c: {  	v3 =	vand.u32 $0x7, v3  }
0x6d: {  	v3 =	vor.u32 v3, v4  }
0x6e: {  	v4 =	vperm.xlane v3, v0;
	_ =	sdelay $0x1  }
0x6f: {  	v4 =	vadd.s32 v1, v4;
	_ =	sdelay $0x3  }
0x70: {  	s0 =	rddreg [dreg:$0x19];
	v3 =	vperm.xlane v3, v2  }
0x71: {  	[tilespmem:s0], [sflag:$0x1] =	stream.indirect_vreg.gather [hbm4b:s3+s2], $0x80, v4, vm0, $0xb8;
	[tilespmem:$0x18100] =	vst v63  }
0x72: {  	s10 =	rddreg [dreg:$0x1a];
	v3 =	vadd.s32 v1, v3  }
0x73: {  	[tilespmem:s10], [sflag:$0x1] =	stream.indirect_vreg.gather [hbm4b:s4+s2], $0x80, v4, vm0, $0xb8;
	[tilespmem:$0x18100] =	vst v63  }
0x74: {  	s0 =	rddreg [dreg:$0x1b]  }
0x75: {  	[tilespmem:s0], [sflag:$0x1] =	stream.indirect_vreg.gather [hbm4b:s5+s2], $0x80, v4, vm0, $0xb8;
	[tilespmem:$0x18100] =	vst v63  }
0x76: {  	s10 =	rddreg [dreg:$0x1c]  }
0x77: {  	[tilespmem:s10], [sflag:$0x1] =	stream.indirect_vreg.gather [hbm4b:s3+s2], $0x80, v3, vm0, $0xb8;
	[tilespmem:$0x18100] =	vst v63  }
0x78: {  	s0 =	rddreg [dreg:$0x1d]  }
0x79: {  	[tilespmem:s0], [sflag:$0x1] =	stream.indirect_vreg.gather [hbm4b:s4+s2], $0x80, v3, vm0, $0xb8;
	[tilespmem:$0x18100] =	vst v63  }
0x7a: {  	s10 =	rddreg [dreg:$0x1e]  }
0x7b: {  	[tilespmem:s10], [sflag:$0x1] =	stream.indirect_vreg.gather [hbm4b:s5+s2], $0x80, v3, vm0, $0xb8;
	[tilespmem:$0x18100] =	vst v63  }
0x7c: {  	v3 =	vld [tilespmem:$0x80];
	_ =	sdelay $0x4  }
0x7d: {  	v60 =	vshrl.u32 v3, $0x3  }
0x7e: {  	v4 =	vmul.u32 $0x30, v60  }
0x7f: {  	v3 =	vand.u32 $0x7, v3  }
0x80: {  	v3 =	vor.u32 v3, v4  }
0x81: {  	v4 =	vperm.xlane v3, v0;
	_ =	sdelay $0x1  }
0x82: {  	v4 =	vadd.s32 v1, v4;
	_ =	sdelay $0x3  }
0x83: {  	s0 =	rddreg [dreg:$0x1f];
	v3 =	vperm.xlane v3, v2  }
0x84: {  	[tilespmem:s9], [sflag:$0x2] =	stream.indirect_vreg.gather [hbm4b:s3+s2], $0x80, v4, vm0, $0xb8;
	[tilespmem:$0x18100] =	vst v63  }
0x85: {  	s10 =	sld [smem:$0x7FC];
	v3 =	vadd.s32 v1, v3  }
0x86: {  	[tilespmem:s0], [sflag:$0x2] =	stream.indirect_vreg.gather [hbm4b:s4+s2], $0x80, v4, vm0, $0xb8;
	[tilespmem:$0x18100] =	vst v63  }
0x87: {  	s0 =	sld [smem:$0x7FD]  }
0x88: {  	[tilespmem:s10], [sflag:$0x2] =	stream.indirect_vreg.gather [hbm4b:s5+s2], $0x80, v4, vm0, $0xb8;
	[tilespmem:$0x18100] =	vst v63  }
0x89: {  	_ = 	snop  }
0x8a: {  	[tilespmem:s0], [sflag:$0x2] =	stream.indirect_vreg.gather [hbm4b:s3+s2], $0x80, v3, vm0, $0xb8;
	[tilespmem:$0x18100] =	vst v63  }
0x8b: {  	s10 =	simm.s32 $0xE100  }
0x8c: {  	[tilespmem:s10], [sflag:$0x2] =	stream.indirect_vreg.gather [hbm4b:s4+s2], $0x80, v3, vm0, $0xb8;
	[tilespmem:$0x18100] =	vst v63  }
0x8d: {  	_ = 	snop  }
0x8e: {  	[tilespmem:s11], [sflag:$0x2] =	stream.indirect_vreg.gather [hbm4b:s5+s2], $0x80, v3, vm0, $0xb8;
	[tilespmem:$0x18100] =	vst v63  }
0x8f: {  	v3 =	vld [tilespmem:$0x90];
	_ =	sdelay $0x4  }
0x90: {  	v61 =	vshrl.u32 v3, $0x3  }
0x91: {  	v4 =	vmul.u32 $0x30, v61  }
0x92: {  	v3 =	vand.u32 $0x7, v3  }
0x93: {  	v3 =	vor.u32 v3, v4  }
0x94: {  	v4 =	vperm.xlane v3, v0;
	_ =	sdelay $0x1  }
0x95: {  	v4 =	vadd.s32 v1, v4;
	_ =	sdelay $0x3  }
0x96: {  	v3 =	vperm.xlane v3, v2  }
0x97: {  	[tilespmem:s12], [sflag:$0x2] =	stream.indirect_vreg.gather [hbm4b:s3+s2], $0x80, v4, vm0, $0xb8;
	[tilespmem:$0x18100] =	vst v63  }
0x98: {  	v3 =	vadd.s32 v1, v3  }
0x99: {  	[tilespmem:s13], [sflag:$0x2] =	stream.indirect_vreg.gather [hbm4b:s4+s2], $0x80, v4, vm0, $0xb8;
	[tilespmem:$0x18100] =	vst v63  }
0x9a: {  	_ = 	snop  }
0x9b: {  	[tilespmem:s14], [sflag:$0x2] =	stream.indirect_vreg.gather [hbm4b:s5+s2], $0x80, v4, vm0, $0xb8;
	[tilespmem:$0x18100] =	vst v63  }
0x9c: {  	_ = 	snop  }
0x9d: {  	[tilespmem:s15], [sflag:$0x2] =	stream.indirect_vreg.gather [hbm4b:s3+s2], $0x80, v3, vm0, $0xb8;
	[tilespmem:$0x18100] =	vst v63  }
0x9e: {  	_ = 	snop  }
0x9f: {  	[tilespmem:s16], [sflag:$0x2] =	stream.indirect_vreg.gather [hbm4b:s4+s2], $0x80, v3, vm0, $0xb8;
	[tilespmem:$0x18100] =	vst v63  }
0xa0: {  	_ = 	snop  }
0xa1: {  	[tilespmem:s17], [sflag:$0x2] =	stream.indirect_vreg.gather [hbm4b:s5+s2], $0x80, v3, vm0, $0xb8;
	[tilespmem:$0x18100] =	vst v63  }
0xa2: {  	v3 =	vld [tilespmem:$0xA0];
	_ =	sdelay $0x4  }
0xa3: {  	v62 =	vshrl.u32 v3, $0x3  }
0xa4: {  	v4 =	vmul.u32 $0x30, v62  }
0xa5: {  	v3 =	vand.u32 $0x7, v3  }
0xa6: {  	v3 =	vor.u32 v3, v4  }
0xa7: {  	v4 =	vperm.xlane v3, v0;
	_ =	sdelay $0x1  }
0xa8: {  	v4 =	vadd.s32 v1, v4;
	_ =	sdelay $0x3  }
0xa9: {  	v3 =	vperm.xlane v3, v2  }
0xaa: {  	[tilespmem:s18], [sflag:$0x2] =	stream.indirect_vreg.gather [hbm4b:s3+s2], $0x80, v4, vm0, $0xb8;
	[tilespmem:$0x18100] =	vst v63  }
0xab: {  	v3 =	vadd.s32 v1, v3  }
0xac: {  	[tilespmem:s19], [sflag:$0x2] =	stream.indirect_vreg.gather [hbm4b:s4+s2], $0x80, v4, vm0, $0xb8;
	[tilespmem:$0x18100] =	vst v63  }
0xad: {  	_ = 	snop  }
0xae: {  	[tilespmem:s20], [sflag:$0x2] =	stream.indirect_vreg.gather [hbm4b:s5+s2], $0x80, v4, vm0, $0xb8;
	[tilespmem:$0x18100] =	vst v63  }
0xaf: {  	_ = 	snop  }
0xb0: {  	[tilespmem:s21], [sflag:$0x2] =	stream.indirect_vreg.gather [hbm4b:s3+s2], $0x80, v3, vm0, $0xb8;
	[tilespmem:$0x18100] =	vst v63  }
0xb1: {  	_ = 	snop  }
0xb2: {  	[tilespmem:s22], [sflag:$0x2] =	stream.indirect_vreg.gather [hbm4b:s4+s2], $0x80, v3, vm0, $0xb8;
	[tilespmem:$0x18100] =	vst v63  }
0xb3: {  	_ = 	snop  }
0xb4: {  	[tilespmem:s23], [sflag:$0x2] =	stream.indirect_vreg.gather [hbm4b:s5+s2], $0x80, v3, vm0, $0xb8;
	[tilespmem:$0x18100] =	vst v63  }
0xb5: {  	v3 =	vld [tilespmem:$0xB0];
	_ =	sdelay $0x4  }
0xb6: {  	v63 =	vshrl.u32 v3, $0x3  }
0xb7: {  	v4 =	vmul.u32 $0x30, v63  }
0xb8: {  	v3 =	vand.u32 $0x7, v3  }
0xb9: {  	v3 =	vor.u32 v3, v4  }
0xba: {  	v4 =	vperm.xlane v3, v0;
	_ =	sdelay $0x1  }
0xbb: {  	v4 =	vadd.s32 v1, v4;
	_ =	sdelay $0x3  }
0xbc: {  	v3 =	vperm.xlane v3, v2  }
0xbd: {  	[tilespmem:s24], [sflag:$0x2] =	stream.indirect_vreg.gather [hbm4b:s3+s2], $0x80, v4, vm0, $0xb8;
	[tilespmem:$0x18100] =	vst v63  }
0xbe: {  	v3 =	vadd.s32 v1, v3  }
0xbf: {  	[tilespmem:s25], [sflag:$0x2] =	stream.indirect_vreg.gather [hbm4b:s4+s2], $0x80, v4, vm0, $0xb8;
	[tilespmem:$0x18100] =	vst v63  }
0xc0: {  	_ = 	snop  }
0xc1: {  	[tilespmem:s26], [sflag:$0x2] =	stream.indirect_vreg.gather [hbm4b:s5+s2], $0x80, v4, vm0, $0xb8;
	[tilespmem:$0x18100] =	vst v63  }
0xc2: {  	_ = 	snop  }
0xc3: {  	[tilespmem:s28], [sflag:$0x2] =	stream.indirect_vreg.gather [hbm4b:s3+s2], $0x80, v3, vm0, $0xb8;
	[tilespmem:$0x18100] =	vst v63  }
0xc4: {  	_ = 	snop  }
0xc5: {  	[tilespmem:s29], [sflag:$0x2] =	stream.indirect_vreg.gather [hbm4b:s4+s2], $0x80, v3, vm0, $0xb8;
	[tilespmem:$0x18100] =	vst v63  }
0xc6: {  	_ = 	snop  }
0xc7: {  	[tilespmem:s30], [sflag:$0x2] =	stream.indirect_vreg.gather [hbm4b:s5+s2], $0x80, v3, vm0, $0xb8;
	[tilespmem:$0x18100] =	vst v63  }
0xc8: {  	_ =	swait.ge [sflag:s31], $0xC000  }
0xc9: {  	[sflag:s31] =	ssyncset.done $0x0  }
0xca: {  	s10 =	rddreg [dreg:$0x5];
	[sflag:s31] =	ssyncadd.s32 $0xFFFF4000  }
0xcb: {  	[hbm4b:s10+s2] =	stream.linear.scatter [tilespmem:s8], [sflag:$0x1], $0xC000, $0x38;
	[tilespmem:$0x18100] =	vst v63  }
0xcc: {  	_ =	swait.ge [sflag:s1], $0xC000  }
0xcd: {  	[sflag:s1] =	ssyncset.done $0x0  }
0xce: {  	[sflag:s1] =	ssyncadd.s32 $0xFFFF4000  }
0xcf: {  	_ =	swait.ge [sflag:s31], $0xC000  }
0xd0: {  	p0 =	sne.s32 s6, $0x1;
	[sflag:s31] =	ssyncset.done $0x0  }
.Ltmp0:
0xd1: {  	s10 =	rddreg [dreg:$0x6];
	[sflag:s31] =	ssyncadd.s32 $0xFFFF4000;
	(pc) =	sbr.rel @p0 .LBB2_1-.Ltmp0, $4  }
0xd2: {  	[hbm4b:s10+s2] =	stream.linear.scatter [tilespmem:s9], [sflag:$0x3], $0xC000, $0x38;
	[tilespmem:$0x18100] =	vst v63  }
0xd3: {  	_ =	swait.ge [sflag:s7], $0xC000  }
0xd4: {  	[sflag:s7] =	ssyncset.done $0x0  }
0xd5: {  	s6 =	sadd.s32 $0xFFFFFFFF, s6;
	[sflag:s7] =	ssyncadd.s32 $0xFFFF4000  }
0xd6: {  	_ =	sfence.sel $0x180000  }
0xd7: {  	[bflag:$0x0] =	sbarrier.arrive $0xFFFF  }
0xd8: {  	_ =	strace $0x9000004A  }
0xd9: {  	s0 =	stileid.u32;
	[bflag:$0x2] =	sbarrier.arrive $0xFFFF  }
0xda: {  	p0 =	sne.s32 s0, $0x0;
	s0 =	rddreg [dreg:$0x2]  }
0xdb: {  	s0 =	sadd.s32 @!p0 $0x100000, s0  }
0xdc: {  	[sflag:s0] =	ssyncadd.tile.s32 @!p0 $0x1;
	_ =	shalt  }
.Lfunc_end2:
_tile_overlayer_lowered:
.L_overlay_start_2:
0xdd: {  	(tag) =	ssettag $0x2  }
0xde: {  	s0 =	rddreg [dreg:$0x0];
	s2 =	stileid.u32  }
0xdf: {  	s1 =	rddreg [dreg:$0x1];
	p0 =	sne.s32 s2, $0x0  }
0xe0: {  	s3 =	rddreg [dreg:$0x2];
	[bflag:$0x3] =	sbarrier.arrive $0xFFFF;
	s2 =	simm.s32 @!p0 $0x1C03  }
0xe1: {  	[timem:s3], [sflag:s2] =	dma.local @!p0 [hbm:s0], s1  }
0xe2: {  	s0 =	simm.s32 @!p0 $0x3  }
0xe3: {  	_ =	swait.ge @!p0 [sflag:s0], s1  }
0xe4: {  	s1 =	ssub.s32 @!p0 $0x0, s1;
	[sflag:s0] =	ssyncset.done @!p0 $0x0  }
0xe5: {  	[sflag:s0] =	ssyncadd.s32 @!p0 s1  }
0xe6: {  	[bflag:$0x3] =	sbarrier.arrive $0xFFFF  }
0xe7: {  	_ =	shalt  }

// kernel: kernel.7.cloned.1.call-start
scs
__scs_entry_jumppad:
0x0: {  	(pc) =	sbr.rel $0x88, $3  }
0x1: {  	(tag) =	ssettag $0x0;
	lr =	simm.s32 $0x1  }
0x2: {  	[smem:$0x3F9D] =	sst lr;
	_ =	strace $0xD0000000  }
0x3: {  	_ = 	snop  }
0x4: {  	_ = 	snop  }
0x5: {  	_ = 	snop  }
0x6: {  	_ = 	snop  }
0x7: {  	_ = 	snop  }
__scs_overlays_trampoline_lowered:
0x8: {  	[smem:$0x3FAC] =	sst s0  }
0x9: {  	[smem:$0x3FAD] =	sst s1  }
0xa: {  	[smem:$0x3FAE] =	sst s2  }
0xb: {  	[smem:$0x3FAF] =	sst s3  }
0xc: {  	[smem:$0x3FB0] =	sst s4  }
0xd: {  	[smem:$0x3FB1] =	sst s5  }
0xe: {  	[smem:$0x3FB2] =	sst s6  }
0xf: {  	[smem:$0x3FB3] =	sst s7  }
0x10: {  	[smem:$0x3FB4] =	sst s8  }
0x11: {  	[smem:$0x3FB5] =	sst s9;
	s0 =	simm.s32 @!p0 $0x0  }
0x12: {  	s1 =	sld [smem:$0x3F9B];
	s0 =	simm.s32 @p0 $0x1  }
0x13: {  	[smem:$0x3FB6] =	sst s0;
	s0 =	simm.s32 @!p1 $0x0  }
0x14: {  	s2 =	sld [smem:$0x3F9A];
	s0 =	simm.s32 @p1 $0x1  }
0x15: {  	[smem:$0x3FB7] =	sst s0;
	s0 =	simm.s32 @!p2 $0x0  }
0x16: {  	s3 =	sld [smem:$0x3FDB];
	s0 =	simm.s32 @p2 $0x1  }
0x17: {  	s4 =	simm.s32 $0x1BF5;
	[smem:$0x3FB9] =	sst s0  }
0x18: {  	s0 =	sld [smem:$0x3F9C];
	_ =	swait.ge [sflag:s4], $0x0  }
0x19: {  	s7 =	sld [smem:$0x3F9D]  }
0x1a: {  	s8 =	sadd.s32 $0xFFFFE003, lr  }
0x1b: {  	s9 =	sadd.s32 $0xFFFFFEF7, lr;
	s5 =	simm.s32 $0xFFFFFFFF;
	p2 =	slt.u32 s8, $0xFFFFF086  }
0x1c: {  	p1 =	slt.u32 s9, $0xF7A;
	s5 =	simm.s32 @!p2 $0x0  }
0x1d: {  	s5 =	simm.s32 @p1 $0x1;
	p0 =	seq.s32 s7, s2  }
0x1e: {  	s7 =	smul.u32 @!p0 $0xF7A, s2;
	p2 =	seq.s32 @!p0 s5, $0x0  }
0x1f: {  	s9 =	smul.u32 $0xF7A, s1;
	s8 =	simm.s32 @!p0 $0x1BF5;
	p2 =	por !p2, p0  }
0x20: {  	[sflag:s8] =	ssyncset.s32 @!p0 $0xFFFFF086;
	s6 =	sadd.s32 @!p0 s3, s7;
	s7 =	simm.s32 @!p0 $0x108  }
0x21: {  	s3 =	sadd.s32 s3, s9;
	s6 =	sadd.s32 @!p0 $0x88, s6;
	s7 =	simm.s32 @p2 $0x1082  }
0x22: {  	[simem:s7], [sflag:s8] =	dma.local @!p0 [hbm:s6], $0xF7A  }
0x23: {  	s9 =	sor.u32 $0xD0000000, s2;
	s6 =	simm.s32 $0x108;
	_ =	swait.ge @!p0 [sflag:s8], $0x0  }
0x24: {  	s3 =	sadd.s32 $0x88, s3;
	s6 =	simm.s32 @!p1 $0x1082;
	[sflag:s4] =	ssyncset.s32 $0xFFFFF086  }
0x25: {  	[simem:s6], [sflag:s4] =	dma.local [hbm:s3], $0xF7A  }
0x26: {  	[smem:$0x3F9D] =	sst s1;
	(tag) =	ssettag s2;
	_ =	strace s9  }
0x27: {  	s1 =	sld [smem:$0x3FAD]  }
0x28: {  	s2 =	sld [smem:$0x3FAE]  }
0x29: {  	s4 =	sld [smem:$0x3FB0]  }
0x2a: {  	p0 =	seq.s32 s5, $0x0;
	s5 =	sld [smem:$0x3FB1]  }
0x2b: {  	s6 =	sld [smem:$0x3FB2]  }
0x2c: {  	s7 =	sld [smem:$0x3FB3]  }
0x2d: {  	s3 =	simm.s32 $0x108;
	s8 =	sld [smem:$0x3FB4]  }
0x2e: {  	s3 =	simm.s32 @!p0 $0x1082;
	s9 =	sld [smem:$0x3FB5]  }
0x2f: {  	lr =	sadd.s32 s0, s3;
	s0 =	sld [smem:$0x3FAC]  }
0x30: {  	s3 =	sld [smem:$0x3FAF]  }
0x31: {  	[smem:$0x3FB8] =	sst s10  }
0x32: {  	s10 =	sld [smem:$0x3FB6];
	_ =	sdelay $0x3  }
0x33: {  	p0 =	seq.s32 s10, $0x1;
	s10 =	sld [smem:$0x3FB8];
	_ =	sdelay $0x3  }
0x34: {  	[smem:$0x3FB8] =	sst s10  }
0x35: {  	s10 =	sld [smem:$0x3FB7];
	_ =	sdelay $0x3  }
0x36: {  	p1 =	seq.s32 s10, $0x1;
	s10 =	sld [smem:$0x3FB8];
	_ =	sdelay $0x3  }
0x37: {  	[smem:$0x3FB8] =	sst s10  }
0x38: {  	s10 =	sld [smem:$0x3FB9]  }
0x39: {  	_ = 	snop;
	(pc) =	sbr.ind lr, $3  }
0x3a: {  	_ = 	snop  }
0x3b: {  	_ = 	snop  }
0x3c: {  	p2 =	seq.s32 s10, $0x1;
	s10 =	sld [smem:$0x3FB8]  }
0x3d: {  	_ =	shalt  }
0x3e: {  	_ =	shalt  }
0x3f: {  	_ =	shalt  }
0x40: {  	_ =	shalt  }
0x41: {  	_ =	shalt  }
0x42: {  	_ =	shalt  }
0x43: {  	_ =	shalt  }
0x44: {  	_ =	shalt  }
0x45: {  	_ =	shalt  }
0x46: {  	_ =	shalt  }
0x47: {  	_ =	shalt  }
0x48: {  	_ =	shalt  }
0x49: {  	_ =	shalt  }
0x4a: {  	_ =	shalt  }
0x4b: {  	_ =	shalt  }
0x4c: {  	_ =	shalt  }
0x4d: {  	_ =	shalt  }
0x4e: {  	_ =	shalt  }
0x4f: {  	_ =	shalt  }
0x50: {  	_ =	shalt  }
0x51: {  	_ =	shalt  }
0x52: {  	_ =	shalt  }
0x53: {  	_ =	shalt  }
0x54: {  	_ =	shalt  }
0x55: {  	_ =	shalt  }
0x56: {  	_ =	shalt  }
0x57: {  	_ =	shalt  }
0x58: {  	_ =	shalt  }
0x59: {  	_ =	shalt  }
0x5a: {  	_ =	shalt  }
0x5b: {  	_ =	shalt  }
0x5c: {  	_ =	shalt  }
0x5d: {  	_ =	shalt  }
0x5e: {  	_ =	shalt  }
0x5f: {  	_ =	shalt  }
0x60: {  	_ =	shalt  }
0x61: {  	_ =	shalt  }
0x62: {  	_ =	shalt  }
0x63: {  	_ =	shalt  }
0x64: {  	_ =	shalt  }
0x65: {  	_ =	shalt  }
0x66: {  	_ =	shalt  }
0x67: {  	_ =	shalt  }
0x68: {  	_ =	shalt  }
0x69: {  	_ =	shalt  }
0x6a: {  	_ =	shalt  }
0x6b: {  	_ =	shalt  }
0x6c: {  	_ =	shalt  }
0x6d: {  	_ =	shalt  }
0x6e: {  	_ =	shalt  }
0x6f: {  	_ =	shalt  }
0x70: {  	_ =	shalt  }
0x71: {  	_ =	shalt  }
0x72: {  	_ =	shalt  }
0x73: {  	_ =	shalt  }
0x74: {  	_ =	shalt  }
0x75: {  	_ =	shalt  }
0x76: {  	_ =	shalt  }
0x77: {  	_ =	shalt  }
0x78: {  	_ =	shalt  }
0x79: {  	_ =	shalt  }
0x7a: {  	_ =	shalt  }
0x7b: {  	_ =	shalt  }
0x7c: {  	_ =	shalt  }
0x7d: {  	_ =	shalt  }
0x7e: {  	_ =	shalt  }
0x7f: {  	_ =	shalt  }
0x80: {  	_ =	shalt  }
0x81: {  	_ =	shalt  }
0x82: {  	_ =	shalt  }
0x83: {  	_ =	shalt  }
0x84: {  	_ =	shalt  }
0x85: {  	_ =	shalt  }
0x86: {  	_ =	shalt  }
0x87: {  	_ =	shalt  }
.Lfunc_end0:
.L_simem_size_0:
called_computation_lowered:
.L_overlay_start_0:
0x88: {  	s2 =	sld [smem:$0x3FD9]  }
0x89: {  	s3 =	sld [smem:$0x3FFE];
	_ =	sdelay $0x1  }
0x8a: {  	s1 =	srdreg.scid  }
0x8b: {  	s0 =	sand.u32 $0x1, s1  }
0x8c: {  	s17 =	sshll.u32 s0, $0xA;
	s2 =	sadd.s32 s3, s2  }
0x8d: {  	s2 =	sadd.s32 s2, s17  }
0x8e: {  	[smem:$0x3FC4] =	sst s2  }
0x8f: {  	_ = 	snop  }
0x90: {  	s2 =	sld [smem:$0x3FC9];
	(tm) =	ssettm $0x1  }
0x91: {  	s18 =	sld [smem:$0x3FFB];
	_ =	sdelay $0x3  }
0x92: {  	_ =	strace s18  }
0x93: {  	s3 =	sld [smem:$0x3FFC];
	_ =	sdelay $0x3  }
0x94: {  	_ =	strace s3  }
0x95: {  	s3 =	sld [smem:$0x3FFD];
	_ =	sdelay $0x3  }
0x96: {  	_ =	strace s3  }
0x97: {  	_ =	strace $0x8FFFFFFF  }
0x98: {  	s19 =	sld [smem:$0x3FDB];
	_ =	sdelay $0x1  }
0x99: {  	s4 =	simm.s32 $_scs_section_size  }
0x9a: {  	s5 =	simm.s32 $_size__tile_overlayer_lowered;
	s6 =	simm.s32 $_tile_overlayer_lowered  }
0x9b: {  	s22 =	simm.s32 $0x1BFF;
	s21 =	sshll.u32 s6, $0x1;
	s3 =	sadd.s32 s4, s19  }
0x9c: {  	s7 =	simm.s32 $0x0;
	s20 =	sshll.u32 s5, $0x1;
	s5 =	sadd.s32 s21, s3  }
0x9d: {  	[timem:s7], [sflag:s22] =	dma.local [hbm:s5], s20  }
0x9e: {  	_ =	swait.ge [sflag:s22], s20  }
0x9f: {  	s4 =	ssub.s32 $0x0, s20;
	[sflag:s22] =	ssyncset.done $0x0  }
0xa0: {  	[sflag:s22] =	ssyncadd.s32 s4;
	_ =	sdelay $0x1  }
0xa1: {  	s23 =	simm.s32 $0x1B8B  }
0xa2: {  	_ =	swait.ge [sflag:s23], $0x1  }
0xa3: {  	[sflag:s23] =	ssyncset.done $0x0  }
0xa4: {  	s25 =	simm.s32 $0x1B8E;
	s24 =	sld [smem:$0x3FFE];
	[sflag:s23] =	ssyncadd.s32 $0xFFFFFFFF  }
0xa5: {  	s26 =	simm.s32 $execute0_lowered;
	[smem:$0x3FD2] =	sst s25  }
0xa6: {  	s5 =	sshll.u32 s26, $0x1;
	_ =	strace $0x80000046;
	[dreg:$0x1] =	wrdreg $0xFFFFFFFF  }
0xa7: {  	s28 =	simm.s32 $_size_execute0_lowered;
	s3 =	sadd.s32 s3, s5;
	[dreg:$0x0] =	wrdreg $0x0  }
0xa8: {  	s5 =	sshll.u32 s28, $0x1;
	[dreg:$0x2] =	wrdreg s3  }
0xa9: {  	[dreg:$0x3] =	wrdreg s5  }
0xaa: {  	[dreg:$0x4] =	wrdreg $0xC0  }
0xab: {  	_ =	task [dreg:s7], $0x5FFFF  }
0xac: {  	[dreg:$0x1] =	wrdreg $0xFFFFFFFF  }
0xad: {  	[dreg:$0x0] =	wrdreg $0x60  }
0xae: {  	[dreg:$0x2] =	wrdreg s24  }
0xaf: {  	[dreg:$0x3] =	wrdreg s2  }
0xb0: {  	[dreg:$0x4] =	wrdreg $0x9  }
0xb1: {  	_ =	task.clear_ibuf [dreg:s7], $0x5FFFF;
	_ =	strace $0x90000046  }
0xb2: {  	s29 =	simm.s32 $0x9;
	_ =	strace $0x80000048  }
0xb3: {  	_ =	swait.ge [sflag:s29], $0x1  }
0xb4: {  	[sflag:s29] =	ssyncadd.s32 $0xFFFFFFFF  }
0xb5: {  	_ =	strace $0x90000048  }
0xb6: {  	_ =	sfence  }
0xb7: {  	s30 =	sld [smem:$0x0];
	_ =	sdelay $0x2  }
0xb8: {  	s31 =	sshll.u32 s1, $0xD;
	s1 =	sshrl.u32 s1, $0x2  }
0xb9: {  	s3 =	sand.u32 $0x4000, s31;
	s1 =	sadd.s32 s1, s30  }
0xba: {  	s0 =	sor.u32 s3, s0;
	s1 =	sshll.u32 s1, $0x11  }
0xbb: {  	s0 =	sor.u32 s1, s0  }
0xbc: {  	s0 =	sadd.s32 $0x8F2B, s0  }
0xbd: {  	[sflag:s0] =	ssyncadd.remote.s32 $0x1  }
0xbe: {  	_ =	sfence.sel $0xFFFF  }
0xbf: {  	[dreg:$0x0] =	wrdreg $0xFFFFFFFF;
	(pc) =	sbr.abs _section_cstart, $3  }
0xc0: {  	[dreg:$0x1] =	wrdreg $0xFFFFFFFF  }
0xc1: {  	_ =	task.clear_ibuf [dreg:s7], $0x2FFFF;
	_ =	strace $0x9FFFFFFF  }
0xc2: {  	(tm) =	ssettm $0x7FFFFFFF  }
0xc3: {  	_ =	shalt  }
tec
execute0_lowered:
.L_overlay_start_1:
0x0: {  	(tag) =	ssettag $0x1  }
0x1: {  	s0 =	srdreg.scid  }
0x2: {  	s2 =	stileid.u32;
	s1 =	rddreg [dreg:$0x0]  }
0x3: {  	s4 =	rddreg [dreg:$0x1];
	s8 =	simm.s32 $0x4;
	s26 =	simm.s32 $0x80  }
0x4: {  	s11 =	simm.s32 $0x3;
	s9 =	simm.s32 $0x100;
	s14 =	simm.s32 $0x1900  }
0x5: {  	s15 =	simm.s32 $0x2100;
	s16 =	simm.s32 $0x2900;
	s17 =	simm.s32 $0x3100  }
0x6: {  	s18 =	simm.s32 $0x3900;
	s19 =	simm.s32 $0x4100;
	s20 =	simm.s32 $0x4900  }
0x7: {  	s21 =	simm.s32 $0x5100;
	s22 =	simm.s32 $0x5900;
	s28 =	simm.s32 $0x8100  }
0x8: {  	s29 =	simm.s32 $0x8900;
	s30 =	simm.s32 $0x9100;
	s31 =	simm.s32 $0x9900  }
0x9: {  	s7 =	simm.s32 $0xB100;
	s10 =	simm.s32 $0xB900;
	s0 =	sand.u32 $0x1, s0  }
0xa: {  	s2 =	sshll.u32 s2, $0x4;
	s3 =	sshll.u32 s0, $0x3;
	s0 =	ssub.s32 $0x2, s0  }
0xb: {  	s3 =	sor.u32 s3, s2;
	s2 =	simm.s32 $0x0;
	s24 =	sshrl.u32 s0, $0x1  }
0xc: {  	s5 =	smul.u32 $0x300, s3;
	[smem:$0x7FF] =	sst s2;
	s3 =	sadd.s32 s3, s1  }
0xd: {  	s0 =	ssub.s32 s0, s24;
	s24 =	simm.s32 $0x6900;
	_ =	strace $0x80000047  }
0xe: {  	s23 =	sadd.s32 $0x400, s3;
	s25 =	sadd.s32 $0x600, s3;
	[dreg:$0x6] =	wrdreg s26  }
0xf: {  	s3 =	sadd.s32 $0x800, s1;
	s6 =	smax.u32 s0, $0x1;
	[dreg:$0x4] =	wrdreg s23  }
0x10: {  	v2 =	vlaneseq.u32;
	s26 =	simm.s32 $0x7900;
	s4 =	sadd.s32 s4, s5;
	[dreg:$0x5] =	wrdreg s25  }
0x11: {  	vm0 =	vmmov $0xffff;
	v1 =	vshrl.u32 v2, $0x3;
	s5 =	sadd.s32 $0xA00, s1;
	s23 =	simm.s32 $0x6100;
	s25 =	simm.s32 $0x7100  }
0x12: {  	v0 =	vand.u32 $0x7, v2;
	v2 =	vor.u32 $0x8, v2;
	v1 =	vmul.u32 $0x8, v1;
	[dreg:$0x3] =	wrdreg s4;
	s4 =	sadd.s32 $0x900, s1;
	s1 =	simm.s32 $0xA100  }
.LBB2_1:
0x13: {  	s12 =	rddreg [dreg:$0x3]  }
0x14: {  	[tilespmem:s9], [sflag:$0x1] =	stream.linear.gather [hbm4b:s12+s2], $0xC000, $0x38;
	[tilespmem:$0xC100] =	vst v63  }
0x15: {  	s13 =	rddreg [dreg:$0x4]  }
0x16: {  	[tilespmem:s2], [sflag:$0x4] =	stream.linear.gather [hbm4b:s13+s2], $0x40, $0x38;
	[tilespmem:$0xC100] =	vst v63  }
0x17: {  	_ =	swait.ge [sflag:s8], $0x40  }
0x18: {  	s13 =	rddreg [dreg:$0x5];
	[sflag:s8] =	ssyncset.done $0x0  }
0x19: {  	s0 =	rddreg [dreg:$0x6];
	[sflag:s8] =	ssyncadd.s32 $0xFFFFFFC0  }
0x1a: {  	[tilespmem:s0], [sflag:$0x4] =	stream.linear.gather [hbm4b:s13+s2], $0x40, $0x38;
	[tilespmem:$0xC100] =	vst v63  }
0x1b: {  	_ =	swait.ge [sflag:s8], $0x40  }
0x1c: {  	[sflag:s8] =	ssyncset.done $0x0  }
0x1d: {  	s0 =	simm.s32 $0x1;
	[sflag:s8] =	ssyncadd.s32 $0xFFFFFFC0  }
0x1e: {  	_ =	swait.ge [sflag:s0], $0xC000  }
0x1f: {  	[sflag:s0] =	ssyncset.done $0x0  }
0x20: {  	[sflag:s0] =	ssyncadd.s32 $0xFFFF4000  }
0x21: {  	v3 =	vld [tilespmem:$0x0];
	_ =	sdelay $0x4  }
0x22: {  	v4 =	vshrl.u32 v3, $0x3  }
0x23: {  	v4 =	vmul.u32 $0x30, v4  }
0x24: {  	v3 =	vand.u32 $0x7, v3  }
0x25: {  	v3 =	vor.u32 v3, v4  }
0x26: {  	v4 =	vperm.xlane v3, v0;
	_ =	sdelay $0x1  }
0x27: {  	v4 =	vadd.s32 v1, v4;
	_ =	sdelay $0x3  }
0x28: {  	v3 =	vperm.xlane v3, v2  }
0x29: {  	[hbm4b:s3+s2] =	stream.indirect_vreg.scatter [tilespmem:s9], [sflag:$0x2], $0x80, v4, vm0, $0xb8;
	[tilespmem:$0xC100] =	vst v63  }
0x2a: {  	s12 =	simm.s32 $0x900;
	v3 =	vadd.s32 v1, v3  }
0x2b: {  	[hbm4b:s4+s2] =	stream.indirect_vreg.scatter [tilespmem:s12], [sflag:$0x2], $0x80, v4, vm0, $0xb8;
	[tilespmem:$0xC100] =	vst v63  }
0x2c: {  	s13 =	simm.s32 $0x1100  }
0x2d: {  	[hbm4b:s5+s2] =	stream.indirect_vreg.scatter [tilespmem:s13], [sflag:$0x2], $0x80, v4, vm0, $0xb8;
	[tilespmem:$0xC100] =	vst v63  }
0x2e: {  	_ = 	snop  }
0x2f: {  	[hbm4b:s3+s2] =	stream.indirect_vreg.scatter [tilespmem:s14], [sflag:$0x2], $0x80, v3, vm0, $0xb8;
	[tilespmem:$0xC100] =	vst v63  }
0x30: {  	_ = 	snop  }
0x31: {  	[hbm4b:s4+s2] =	stream.indirect_vreg.scatter [tilespmem:s15], [sflag:$0x2], $0x80, v3, vm0, $0xb8;
	[tilespmem:$0xC100] =	vst v63  }
0x32: {  	_ = 	snop  }
0x33: {  	[hbm4b:s5+s2] =	stream.indirect_vreg.scatter [tilespmem:s16], [sflag:$0x2], $0x80, v3, vm0, $0xb8;
	[tilespmem:$0xC100] =	vst v63  }
0x34: {  	v3 =	vld [tilespmem:$0x10];
	_ =	sdelay $0x4  }
0x35: {  	v57 =	vshrl.u32 v3, $0x3  }
0x36: {  	v4 =	vmul.u32 $0x30, v57  }
0x37: {  	v3 =	vand.u32 $0x7, v3  }
0x38: {  	v3 =	vor.u32 v3, v4  }
0x39: {  	v4 =	vperm.xlane v3, v0;
	_ =	sdelay $0x1  }
0x3a: {  	v4 =	vadd.s32 v1, v4;
	_ =	sdelay $0x3  }
0x3b: {  	v3 =	vperm.xlane v3, v2  }
0x3c: {  	[hbm4b:s3+s2] =	stream.indirect_vreg.scatter [tilespmem:s17], [sflag:$0x2], $0x80, v4, vm0, $0xb8;
	[tilespmem:$0xC100] =	vst v63  }
0x3d: {  	v3 =	vadd.s32 v1, v3  }
0x3e: {  	[hbm4b:s4+s2] =	stream.indirect_vreg.scatter [tilespmem:s18], [sflag:$0x2], $0x80, v4, vm0, $0xb8;
	[tilespmem:$0xC100] =	vst v63  }
0x3f: {  	_ = 	snop  }
0x40: {  	[hbm4b:s5+s2] =	stream.indirect_vreg.scatter [tilespmem:s19], [sflag:$0x2], $0x80, v4, vm0, $0xb8;
	[tilespmem:$0xC100] =	vst v63  }
0x41: {  	_ = 	snop  }
0x42: {  	[hbm4b:s3+s2] =	stream.indirect_vreg.scatter [tilespmem:s20], [sflag:$0x2], $0x80, v3, vm0, $0xb8;
	[tilespmem:$0xC100] =	vst v63  }
0x43: {  	_ = 	snop  }
0x44: {  	[hbm4b:s4+s2] =	stream.indirect_vreg.scatter [tilespmem:s21], [sflag:$0x2], $0x80, v3, vm0, $0xb8;
	[tilespmem:$0xC100] =	vst v63  }
0x45: {  	_ = 	snop  }
0x46: {  	[hbm4b:s5+s2] =	stream.indirect_vreg.scatter [tilespmem:s22], [sflag:$0x2], $0x80, v3, vm0, $0xb8;
	[tilespmem:$0xC100] =	vst v63  }
0x47: {  	v3 =	vld [tilespmem:$0x20];
	_ =	sdelay $0x4  }
0x48: {  	v58 =	vshrl.u32 v3, $0x3  }
0x49: {  	v4 =	vmul.u32 $0x30, v58  }
0x4a: {  	v3 =	vand.u32 $0x7, v3  }
0x4b: {  	v3 =	vor.u32 v3, v4  }
0x4c: {  	v4 =	vperm.xlane v3, v0;
	_ =	sdelay $0x1  }
0x4d: {  	v4 =	vadd.s32 v1, v4;
	_ =	sdelay $0x3  }
0x4e: {  	v3 =	vperm.xlane v3, v2  }
0x4f: {  	[hbm4b:s3+s2] =	stream.indirect_vreg.scatter [tilespmem:s23], [sflag:$0x2], $0x80, v4, vm0, $0xb8;
	[tilespmem:$0xC100] =	vst v63  }
0x50: {  	v3 =	vadd.s32 v1, v3  }
0x51: {  	[hbm4b:s4+s2] =	stream.indirect_vreg.scatter [tilespmem:s24], [sflag:$0x2], $0x80, v4, vm0, $0xb8;
	[tilespmem:$0xC100] =	vst v63  }
0x52: {  	_ = 	snop  }
0x53: {  	[hbm4b:s5+s2] =	stream.indirect_vreg.scatter [tilespmem:s25], [sflag:$0x2], $0x80, v4, vm0, $0xb8;
	[tilespmem:$0xC100] =	vst v63  }
0x54: {  	_ = 	snop  }
0x55: {  	[hbm4b:s3+s2] =	stream.indirect_vreg.scatter [tilespmem:s26], [sflag:$0x2], $0x80, v3, vm0, $0xb8;
	[tilespmem:$0xC100] =	vst v63  }
0x56: {  	_ = 	snop  }
0x57: {  	[hbm4b:s4+s2] =	stream.indirect_vreg.scatter [tilespmem:s28], [sflag:$0x2], $0x80, v3, vm0, $0xb8;
	[tilespmem:$0xC100] =	vst v63  }
0x58: {  	_ = 	snop  }
0x59: {  	[hbm4b:s5+s2] =	stream.indirect_vreg.scatter [tilespmem:s29], [sflag:$0x2], $0x80, v3, vm0, $0xb8;
	[tilespmem:$0xC100] =	vst v63  }
0x5a: {  	v3 =	vld [tilespmem:$0x30];
	_ =	sdelay $0x4  }
0x5b: {  	v59 =	vshrl.u32 v3, $0x3  }
0x5c: {  	v4 =	vmul.u32 $0x30, v59  }
0x5d: {  	v3 =	vand.u32 $0x7, v3  }
0x5e: {  	v3 =	vor.u32 v3, v4  }
0x5f: {  	v4 =	vperm.xlane v3, v0;
	_ =	sdelay $0x1  }
0x60: {  	v4 =	vadd.s32 v1, v4;
	_ =	sdelay $0x3  }
0x61: {  	v3 =	vperm.xlane v3, v2  }
0x62: {  	[hbm4b:s3+s2] =	stream.indirect_vreg.scatter [tilespmem:s30], [sflag:$0x2], $0x80, v4, vm0, $0xb8;
	[tilespmem:$0xC100] =	vst v63  }
0x63: {  	v3 =	vadd.s32 v1, v3  }
0x64: {  	[hbm4b:s4+s2] =	stream.indirect_vreg.scatter [tilespmem:s31], [sflag:$0x2], $0x80, v4, vm0, $0xb8;
	[tilespmem:$0xC100] =	vst v63  }
0x65: {  	_ = 	snop  }
0x66: {  	[hbm4b:s5+s2] =	stream.indirect_vreg.scatter [tilespmem:s1], [sflag:$0x2], $0x80, v4, vm0, $0xb8;
	[tilespmem:$0xC100] =	vst v63  }
0x67: {  	s0 =	simm.s32 $0xA900  }
0x68: {  	[hbm4b:s3+s2] =	stream.indirect_vreg.scatter [tilespmem:s0], [sflag:$0x2], $0x80, v3, vm0, $0xb8;
	[tilespmem:$0xC100] =	vst v63  }
0x69: {  	_ = 	snop  }
0x6a: {  	[hbm4b:s4+s2] =	stream.indirect_vreg.scatter [tilespmem:s7], [sflag:$0x2], $0x80, v3, vm0, $0xb8;
	[tilespmem:$0xC100] =	vst v63  }
0x6b: {  	_ = 	snop  }
0x6c: {  	[hbm4b:s5+s2] =	stream.indirect_vreg.scatter [tilespmem:s10], [sflag:$0x2], $0x80, v3, vm0, $0xb8;
	[tilespmem:$0xC100] =	vst v63  }
0x6d: {  	v3 =	vld [tilespmem:$0x80];
	_ =	sdelay $0x4  }
0x6e: {  	v60 =	vshrl.u32 v3, $0x3  }
0x6f: {  	v4 =	vmul.u32 $0x30, v60  }
0x70: {  	v3 =	vand.u32 $0x7, v3  }
0x71: {  	v3 =	vor.u32 v3, v4  }
0x72: {  	v4 =	vperm.xlane v3, v0;
	_ =	sdelay $0x1  }
0x73: {  	v4 =	vadd.s32 v1, v4;
	_ =	sdelay $0x3  }
0x74: {  	v3 =	vperm.xlane v3, v2  }
0x75: {  	[hbm4b:s3+s2] =	stream.indirect_vreg.scatter [tilespmem:s9], [sflag:$0x3], $0x80, v4, vm0, $0xb8;
	[tilespmem:$0xC100] =	vst v63  }
0x76: {  	v3 =	vadd.s32 v1, v3  }
0x77: {  	[hbm4b:s4+s2] =	stream.indirect_vreg.scatter [tilespmem:s12], [sflag:$0x3], $0x80, v4, vm0, $0xb8;
	[tilespmem:$0xC100] =	vst v63  }
0x78: {  	_ = 	snop  }
0x79: {  	[hbm4b:s5+s2] =	stream.indirect_vreg.scatter [tilespmem:s13], [sflag:$0x3], $0x80, v4, vm0, $0xb8;
	[tilespmem:$0xC100] =	vst v63  }
0x7a: {  	_ = 	snop  }
0x7b: {  	[hbm4b:s3+s2] =	stream.indirect_vreg.scatter [tilespmem:s14], [sflag:$0x3], $0x80, v3, vm0, $0xb8;
	[tilespmem:$0xC100] =	vst v63  }
0x7c: {  	_ = 	snop  }
0x7d: {  	[hbm4b:s4+s2] =	stream.indirect_vreg.scatter [tilespmem:s15], [sflag:$0x3], $0x80, v3, vm0, $0xb8;
	[tilespmem:$0xC100] =	vst v63  }
0x7e: {  	_ = 	snop  }
0x7f: {  	[hbm4b:s5+s2] =	stream.indirect_vreg.scatter [tilespmem:s16], [sflag:$0x3], $0x80, v3, vm0, $0xb8;
	[tilespmem:$0xC100] =	vst v63  }
0x80: {  	v3 =	vld [tilespmem:$0x90];
	_ =	sdelay $0x4  }
0x81: {  	v61 =	vshrl.u32 v3, $0x3  }
0x82: {  	v4 =	vmul.u32 $0x30, v61  }
0x83: {  	v3 =	vand.u32 $0x7, v3  }
0x84: {  	v3 =	vor.u32 v3, v4  }
0x85: {  	v4 =	vperm.xlane v3, v0;
	_ =	sdelay $0x1  }
0x86: {  	v4 =	vadd.s32 v1, v4;
	_ =	sdelay $0x3  }
0x87: {  	v3 =	vperm.xlane v3, v2  }
0x88: {  	[hbm4b:s3+s2] =	stream.indirect_vreg.scatter [tilespmem:s17], [sflag:$0x3], $0x80, v4, vm0, $0xb8;
	[tilespmem:$0xC100] =	vst v63  }
0x89: {  	v3 =	vadd.s32 v1, v3  }
0x8a: {  	[hbm4b:s4+s2] =	stream.indirect_vreg.scatter [tilespmem:s18], [sflag:$0x3], $0x80, v4, vm0, $0xb8;
	[tilespmem:$0xC100] =	vst v63  }
0x8b: {  	_ = 	snop  }
0x8c: {  	[hbm4b:s5+s2] =	stream.indirect_vreg.scatter [tilespmem:s19], [sflag:$0x3], $0x80, v4, vm0, $0xb8;
	[tilespmem:$0xC100] =	vst v63  }
0x8d: {  	_ = 	snop  }
0x8e: {  	[hbm4b:s3+s2] =	stream.indirect_vreg.scatter [tilespmem:s20], [sflag:$0x3], $0x80, v3, vm0, $0xb8;
	[tilespmem:$0xC100] =	vst v63  }
0x8f: {  	_ = 	snop  }
0x90: {  	[hbm4b:s4+s2] =	stream.indirect_vreg.scatter [tilespmem:s21], [sflag:$0x3], $0x80, v3, vm0, $0xb8;
	[tilespmem:$0xC100] =	vst v63  }
0x91: {  	_ = 	snop  }
0x92: {  	[hbm4b:s5+s2] =	stream.indirect_vreg.scatter [tilespmem:s22], [sflag:$0x3], $0x80, v3, vm0, $0xb8;
	[tilespmem:$0xC100] =	vst v63  }
0x93: {  	v3 =	vld [tilespmem:$0xA0];
	_ =	sdelay $0x4  }
0x94: {  	v62 =	vshrl.u32 v3, $0x3  }
0x95: {  	v4 =	vmul.u32 $0x30, v62  }
0x96: {  	v3 =	vand.u32 $0x7, v3  }
0x97: {  	v3 =	vor.u32 v3, v4  }
0x98: {  	v4 =	vperm.xlane v3, v0;
	_ =	sdelay $0x1  }
0x99: {  	v4 =	vadd.s32 v1, v4;
	_ =	sdelay $0x3  }
0x9a: {  	v3 =	vperm.xlane v3, v2  }
0x9b: {  	[hbm4b:s3+s2] =	stream.indirect_vreg.scatter [tilespmem:s23], [sflag:$0x3], $0x80, v4, vm0, $0xb8;
	[tilespmem:$0xC100] =	vst v63  }
0x9c: {  	v3 =	vadd.s32 v1, v3  }
0x9d: {  	[hbm4b:s4+s2] =	stream.indirect_vreg.scatter [tilespmem:s24], [sflag:$0x3], $0x80, v4, vm0, $0xb8;
	[tilespmem:$0xC100] =	vst v63  }
0x9e: {  	_ = 	snop  }
0x9f: {  	[hbm4b:s5+s2] =	stream.indirect_vreg.scatter [tilespmem:s25], [sflag:$0x3], $0x80, v4, vm0, $0xb8;
	[tilespmem:$0xC100] =	vst v63  }
0xa0: {  	_ = 	snop  }
0xa1: {  	[hbm4b:s3+s2] =	stream.indirect_vreg.scatter [tilespmem:s26], [sflag:$0x3], $0x80, v3, vm0, $0xb8;
	[tilespmem:$0xC100] =	vst v63  }
0xa2: {  	_ = 	snop  }
0xa3: {  	[hbm4b:s4+s2] =	stream.indirect_vreg.scatter [tilespmem:s28], [sflag:$0x3], $0x80, v3, vm0, $0xb8;
	[tilespmem:$0xC100] =	vst v63  }
0xa4: {  	_ = 	snop  }
0xa5: {  	[hbm4b:s5+s2] =	stream.indirect_vreg.scatter [tilespmem:s29], [sflag:$0x3], $0x80, v3, vm0, $0xb8;
	[tilespmem:$0xC100] =	vst v63  }
0xa6: {  	v3 =	vld [tilespmem:$0xB0];
	_ =	sdelay $0x4  }
0xa7: {  	v63 =	vshrl.u32 v3, $0x3  }
0xa8: {  	v4 =	vmul.u32 $0x30, v63  }
0xa9: {  	v3 =	vand.u32 $0x7, v3  }
0xaa: {  	v3 =	vor.u32 v3, v4  }
0xab: {  	v4 =	vperm.xlane v3, v0;
	_ =	sdelay $0x1  }
0xac: {  	v4 =	vadd.s32 v1, v4;
	_ =	sdelay $0x3  }
0xad: {  	v3 =	vperm.xlane v3, v2  }
0xae: {  	[hbm4b:s3+s2] =	stream.indirect_vreg.scatter [tilespmem:s30], [sflag:$0x3], $0x80, v4, vm0, $0xb8;
	[tilespmem:$0xC100] =	vst v63  }
0xaf: {  	v3 =	vadd.s32 v1, v3  }
0xb0: {  	[hbm4b:s4+s2] =	stream.indirect_vreg.scatter [tilespmem:s31], [sflag:$0x3], $0x80, v4, vm0, $0xb8;
	[tilespmem:$0xC100] =	vst v63  }
0xb1: {  	_ = 	snop  }
0xb2: {  	[hbm4b:s5+s2] =	stream.indirect_vreg.scatter [tilespmem:s1], [sflag:$0x3], $0x80, v4, vm0, $0xb8;
	[tilespmem:$0xC100] =	vst v63  }
0xb3: {  	_ = 	snop  }
0xb4: {  	[hbm4b:s3+s2] =	stream.indirect_vreg.scatter [tilespmem:s0], [sflag:$0x3], $0x80, v3, vm0, $0xb8;
	[tilespmem:$0xC100] =	vst v63  }
0xb5: {  	_ = 	snop  }
0xb6: {  	[hbm4b:s4+s2] =	stream.indirect_vreg.scatter [tilespmem:s7], [sflag:$0x3], $0x80, v3, vm0, $0xb8;
	[tilespmem:$0xC100] =	vst v63  }
0xb7: {  	s13 =	simm.s32 $0x2  }
0xb8: {  	[hbm4b:s5+s2] =	stream.indirect_vreg.scatter [tilespmem:s10], [sflag:$0x3], $0x80, v3, vm0, $0xb8;
	[tilespmem:$0xC100] =	vst v63  }
0xb9: {  	p0 =	sne.s32 s6, $0x1;
	_ =	swait.ge [sflag:s13], $0xC000  }
.Ltmp0:
0xba: {  	[sflag:s13] =	ssyncset.done $0x0;
	(pc) =	sbr.rel @p0 .LBB2_1-.Ltmp0, $4  }
0xbb: {  	[sflag:s13] =	ssyncadd.s32 $0xFFFF4000  }
0xbc: {  	_ =	swait.ge [sflag:s11], $0xC000  }
0xbd: {  	[sflag:s11] =	ssyncset.done $0x0  }
0xbe: {  	s6 =	sadd.s32 $0xFFFFFFFF, s6;
	[sflag:s11] =	ssyncadd.s32 $0xFFFF4000  }
0xbf: {  	_ =	sfence.sel $0x180000  }
0xc0: {  	[bflag:$0x0] =	sbarrier.arrive $0xFFFF  }
0xc1: {  	_ =	strace $0x90000047  }
0xc2: {  	s0 =	stileid.u32;
	[bflag:$0x2] =	sbarrier.arrive $0xFFFF  }
0xc3: {  	p0 =	sne.s32 s0, $0x0;
	s0 =	rddreg [dreg:$0x2]  }
0xc4: {  	s0 =	sadd.s32 @!p0 $0x100000, s0  }
0xc5: {  	[sflag:s0] =	ssyncadd.tile.s32 @!p0 $0x1;
	_ =	shalt  }
.Lfunc_end2:
_tile_overlayer_lowered:
.L_overlay_start_2:
0xc6: {  	(tag) =	ssettag $0x2  }
0xc7: {  	s0 =	rddreg [dreg:$0x0];
	s2 =	stileid.u32  }
0xc8: {  	s1 =	rddreg [dreg:$0x1];
	p0 =	sne.s32 s2, $0x0  }
0xc9: {  	s3 =	rddreg [dreg:$0x2];
	[bflag:$0x3] =	sbarrier.arrive $0xFFFF;
	s2 =	simm.s32 @!p0 $0x1C04  }
0xca: {  	[timem:s3], [sflag:s2] =	dma.local @!p0 [hbm:s0], s1  }
0xcb: {  	s0 =	simm.s32 @!p0 $0x4  }
0xcc: {  	_ =	swait.ge @!p0 [sflag:s0], s1  }
0xcd: {  	s1 =	ssub.s32 @!p0 $0x0, s1;
	[sflag:s0] =	ssyncset.done @!p0 $0x0  }
0xce: {  	[sflag:s0] =	ssyncadd.s32 @!p0 s1  }
0xcf: {  	[bflag:$0x3] =	sbarrier.arrive $0xFFFF  }
0xd0: {  	_ =	shalt  }

</sc_bundles>
